<compile_context>
chip_gen: v7x
topology: tpu7x:2x2x1
jax: 0.10.2.dev20260603
libtpu: 0.0.44.dev20260713+nightly
codegen_flags: <defaults>
</compile_context>

<pallas_src>
import functools

import jax
import jax.numpy as jnp
import numpy as np
from jax.experimental import pallas as pl
from jax.experimental.pallas import tpu as pltpu
from jax.experimental.pallas import tpu_sc as plsc

EMBED = 256
NH = 8
NL = 4
NP = 8
NC = 6
DZ = 4
HD = 32
NQ = 2500
NQP = 2560
LP = NL * NP
LANES = NH * LP

_SP = np.array([[46, 80], [23, 40], [12, 20], [6, 10]], dtype=np.int64)
_SIZES = (_SP[:, 0] * _SP[:, 1]).astype(np.int64)
_LSTART = np.concatenate([[0], np.cumsum(_SIZES)[:-1]])
_PL = ((_SP[:, 0] + 1) * (_SP[:, 1] + 1)).astype(np.int64)
_PBASE = np.concatenate([[0], np.cumsum(_PL)[:-1]])
PTOT = int(_PL.sum())
TAB_ROWS = NC * NH * PTOT
S_TOTAL = NC * NQP * LANES
GWIN = 128

_j = np.arange(LANES)
_lh = _j // LP
_ll = (_j % LP) // NP
LANE_W = _SP[_ll, 1].astype(np.float32).reshape(1, LANES)
LANE_H = _SP[_ll, 0].astype(np.float32).reshape(1, LANES)
LANE_WP1 = (_SP[_ll, 1] + 1).astype(np.int32).reshape(1, LANES)
LANE_BASE = (_lh * PTOT + _PBASE[_ll]).astype(np.int32).reshape(1, LANES)


def _prep0_body(q_ref, qp_ref, wo_ref, bo_ref, wa_ref, ba_ref, off_ref, aw_ref):
    qs = q_ref[...] + qp_ref[...]
    off_ref[...] = jnp.dot(qs, wo_ref[...], preferred_element_type=jnp.float32) + bo_ref[...]
    a = jnp.dot(qs, wa_ref[...], preferred_element_type=jnp.float32) + ba_ref[...]
    a3 = a.reshape(a.shape[0], NH, LP)
    m = jnp.max(a3, axis=-1, keepdims=True)
    e = jnp.exp(a3 - m)
    sm = e / jnp.sum(e, axis=-1, keepdims=True)
    aw_ref[...] = sm.reshape(a.shape)


def _prep0(qpad, qpospad, W_off, b_off, W_attn, b_attn):
    blk = 512
    return pl.pallas_call(
        _prep0_body,
        grid=(NQP // blk,),
        in_specs=[pl.BlockSpec((blk, EMBED), lambda i: (i, 0)),
                  pl.BlockSpec((blk, EMBED), lambda i: (i, 0)),
                  pl.BlockSpec((EMBED, 512), lambda i: (0, 0)),
                  pl.BlockSpec((1, 512), lambda i: (0, 0)),
                  pl.BlockSpec((EMBED, EMBED), lambda i: (0, 0)),
                  pl.BlockSpec((1, EMBED), lambda i: (0, 0))],
        out_specs=[pl.BlockSpec((blk, 512), lambda i: (i, 0)),
                   pl.BlockSpec((blk, EMBED), lambda i: (i, 0))],
        out_shape=[jax.ShapeDtypeStruct((NQP, 512), jnp.float32),
                   jax.ShapeDtypeStruct((NQP, EMBED), jnp.float32)],
    )(qpad, qpospad, W_off, b_off.reshape(1, 512), W_attn, b_attn.reshape(1, EMBED))


def _maskscale_body(bev_ref, scale_ref):
    m = (jnp.sum(bev_ref[...], axis=-1) > 0).astype(jnp.float32)
    cnt = jnp.clip(jnp.sum(m, axis=0, keepdims=True), 1.0, None)
    scale_ref[...] = m / cnt


def _maskscale(bevf):
    return pl.pallas_call(
        _maskscale_body,
        out_shape=jax.ShapeDtypeStruct((NC, NQP), jnp.float32),
    )(bevf)


def _valproj_body(v_ref, w_ref, b_ref, o_ref):
    o_ref[0] = jnp.dot(v_ref[0], w_ref[...], preferred_element_type=jnp.float32) + b_ref[...]


def _valproj(value6, W_v, b_v):
    L = value6.shape[1]
    return pl.pallas_call(
        _valproj_body,
        grid=(NC,),
        in_specs=[pl.BlockSpec((1, L, EMBED), lambda c: (c, 0, 0)),
                  pl.BlockSpec((EMBED, EMBED), lambda c: (0, 0)),
                  pl.BlockSpec((1, EMBED), lambda c: (0, 0))],
        out_specs=pl.BlockSpec((1, L, EMBED), lambda c: (c, 0, 0)),
        out_shape=jax.ShapeDtypeStruct((NC, L, EMBED), jnp.float32),
    )(value6, W_v, b_v.reshape(1, EMBED))


def _prep1_body(offx_ref, offy_ref, refx_ref, refy_ref, awm_ref, scale_ref,
                lw_ref, lh_ref, lwp1_ref, lbase_ref, idx_ref,
                w00_ref, w01_ref, w10_ref, w11_ref):
    c = pl.program_id(0)
    lw = lw_ref[...]
    lh = lh_ref[...]
    locx = refx_ref[0] + offx_ref[...] / lw
    locy = refy_ref[0] + offy_ref[...] / lh
    px = locx * lw - 0.5
    py = locy * lh - 0.5
    x0 = jnp.floor(px)
    y0 = jnp.floor(py)
    fx = px - x0
    fy = py - y0
    vx0 = ((x0 >= 0) & (x0 <= lw - 1)).astype(jnp.float32)
    vx1 = ((x0 + 1 >= 0) & (x0 + 1 <= lw - 1)).astype(jnp.float32)
    vy0 = ((y0 >= 0) & (y0 <= lh - 1)).astype(jnp.float32)
    vy1 = ((y0 + 1 >= 0) & (y0 + 1 <= lh - 1)).astype(jnp.float32)
    xc = jnp.clip(x0, -1.0, lw - 1).astype(jnp.int32)
    yc = jnp.clip(y0, -1.0, lh - 1).astype(jnp.int32)
    row = (yc + 1) * lwp1_ref[...] + (xc + 1)
    idx_ref[0] = row + lbase_ref[...] + c * (NH * PTOT)
    bw = awm_ref[...] * scale_ref[0]
    wx0 = 1.0 - fx
    wy0 = 1.0 - fy
    w00_ref[0] = bw * (wy0 * wx0 * vy0 * vx0)
    w01_ref[0] = bw * (wy0 * fx * vy0 * vx1)
    w10_ref[0] = bw * (fy * wx0 * vy1 * vx0)
    w11_ref[0] = bw * (fy * fx * vy1 * vx1)


def _prep1(offx, offy, refx, refy, awm, scale3):
    blk = 512
    f = jnp.float32
    return pl.pallas_call(
        _prep1_body,
        grid=(NC, NQP // blk),
        in_specs=[pl.BlockSpec((blk, LANES), lambda c, i: (i, 0)),
                  pl.BlockSpec((blk, LANES), lambda c, i: (i, 0)),
                  pl.BlockSpec((1, blk, LANES), lambda c, i: (c, i, 0)),
                  pl.BlockSpec((1, blk, LANES), lambda c, i: (c, i, 0)),
                  pl.BlockSpec((blk, LANES), lambda c, i: (i, 0)),
                  pl.BlockSpec((1, blk, 1), lambda c, i: (c, i, 0)),
                  pl.BlockSpec((1, LANES), lambda c, i: (0, 0)),
                  pl.BlockSpec((1, LANES), lambda c, i: (0, 0)),
                  pl.BlockSpec((1, LANES), lambda c, i: (0, 0)),
                  pl.BlockSpec((1, LANES), lambda c, i: (0, 0))],
        out_specs=[pl.BlockSpec((1, blk, LANES), lambda c, i: (c, i, 0))] * 5,
        out_shape=[jax.ShapeDtypeStruct((NC, NQP, LANES), jnp.int32)]
        + [jax.ShapeDtypeStruct((NC, NQP, LANES), jnp.float32)] * 4,
    )(offx, offy, refx, refy, awm, scale3,
      jnp.asarray(LANE_W), jnp.asarray(LANE_H),
      jnp.asarray(LANE_WP1), jnp.asarray(LANE_BASE))


def _sc_gather(tab, idx2d):
    mesh = plsc.VectorSubcoreMesh(core_axis_name="c", subcore_axis_name="s")

    @functools.partial(
        pl.kernel,
        out_type=jax.ShapeDtypeStruct((S_TOTAL, 128), jnp.float32),
        mesh=mesh,
    )
    def sck(tab_hbm, idx_hbm, g_hbm):
        def body(i_vmem, o_vmem):
            pltpu.sync_copy(tab_hbm.at[i_vmem.at[0]], o_vmem)

        pltpu.emit_pipeline(
            body,
            grid=(S_TOTAL // GWIN,),
            in_specs=[pl.BlockSpec((1, GWIN), index_map=lambda i: (0, i))],
            out_specs=[pl.BlockSpec((GWIN, 128), index_map=lambda i: (i, 0))],
            core_axis_name=("c", "s"),
            dimension_semantics=(pltpu.PARALLEL,),
        )(idx_hbm, g_hbm)

    return sck(tab, idx2d)


QB = 16

def _blend_body(g_ref, w_ref, e_ref, o_ref):
    c = pl.program_id(1)
    g = g_ref[0].reshape(QB * LANES, 128)
    w = w_ref[0]
    wexp = jax.lax.dot_general(w, e_ref[...], (((0,), (0,)), ((), ())),
                               preferred_element_type=jnp.float32)
    p = (g * wexp).reshape(QB * NH, LP, 128)
    y = p[:, 0:8] + p[:, 8:16] + p[:, 16:24] + p[:, 24:32]
    s = jnp.sum(y, axis=1)
    blk = s[:, 0:32] + s[:, 32:64] + s[:, 64:96] + s[:, 96:128]

    @pl.when(c == 0)
    def _():
        o_ref[...] = blk

    @pl.when(c != 0)
    def _():
        o_ref[...] += blk


def _blend(G4, W4r):
    emat = jnp.asarray(np.repeat(np.eye(4, dtype=np.float32), HD, axis=1))
    return pl.pallas_call(
        _blend_body,
        grid=(NQP // QB, NC),
        in_specs=[pl.BlockSpec((1, QB, LANES, 128), lambda i, c: (c, i, 0, 0)),
                  pl.BlockSpec((1, 4, QB * LANES), lambda i, c: (c, 0, i)),
                  pl.BlockSpec((4, 128), lambda i, c: (0, 0))],
        out_specs=pl.BlockSpec((QB * NH, HD), lambda i, c: (i, 0)),
        out_shape=jax.ShapeDtypeStruct((NQP * NH, HD), jnp.float32),
    )(G4, W4r, emat)


def _outproj_body(x_ref, w_ref, b_ref, r_ref, o_ref):
    o_ref[...] = (jnp.dot(x_ref[...], w_ref[...], preferred_element_type=jnp.float32)
                  + b_ref[...] + r_ref[...])


def _outproj(x, W, b, resid):
    return pl.pallas_call(
        _outproj_body,
        out_shape=jax.ShapeDtypeStruct((NQ, EMBED), jnp.float32),
    )(x, W, b.reshape(1, EMBED), resid)


def _build_patch_table(vp):
    pats = []
    for lvl in range(NL):
        h, w = int(_SP[lvl, 0]), int(_SP[lvl, 1])
        s = int(_LSTART[lvl])
        seg = vp[:, s:s + h * w].reshape(NC, h, w, NH, HD)
        seg = seg.transpose(0, 3, 1, 2, 4)
        seg = jnp.pad(seg, ((0, 0), (0, 0), (1, 1), (1, 1), (0, 0)))
        a = seg[:, :, 0:h + 1, 0:w + 1]
        b = seg[:, :, 0:h + 1, 1:w + 2]
        cc = seg[:, :, 1:h + 2, 0:w + 1]
        d = seg[:, :, 1:h + 2, 1:w + 2]
        pat = jnp.concatenate([a, b, cc, d], axis=-1)
        pats.append(pat.reshape(NC, NH, int(_PL[lvl]), 128))
    tab = jnp.concatenate(pats, axis=2)
    return tab.reshape(TAB_ROWS, 128)


def kernel(query, key, value, query_pos, reference_points_cam, bev_mask,
           spatial_shapes, level_start_index, W_v, b_v, W_off, b_off,
           W_attn, b_attn, W_out, b_out):
    f = jnp.float32
    qpad = jnp.pad(query[0], ((0, NQP - NQ), (0, 0)))
    qpospad = jnp.pad(query_pos[0], ((0, NQP - NQ), (0, 0)))

    off_lin, awm = _prep0(qpad, qpospad, W_off, b_off, W_attn, b_attn)
    offx = off_lin.reshape(NQP, LANES, 2)[..., 0]
    offy = off_lin.reshape(NQP, LANES, 2)[..., 1]

    ref6 = reference_points_cam[:, 0]
    refx = jnp.pad(jnp.tile(ref6[..., 0], (1, 1, LANES // DZ)),
                   ((0, 0), (0, NQP - NQ), (0, 0)))
    refy = jnp.pad(jnp.tile(ref6[..., 1], (1, 1, LANES // DZ)),
                   ((0, 0), (0, NQP - NQ), (0, 0)))

    bevf = jnp.pad(bev_mask[:, 0].astype(f), ((0, 0), (0, NQP - NQ), (0, 0)))
    scale = _maskscale(bevf)
    scale3 = scale.reshape(NC, NQP, 1)

    idx4, w00, w01, w10, w11 = _prep1(offx, offy, refx, refy, awm, scale3)
    W4r = jnp.stack([w00, w01, w10, w11], axis=1).reshape(NC, 4, NQP * LANES)

    vp = _valproj(value[:, :, 0, :], W_v, b_v)
    tab = _build_patch_table(vp)

    G = _sc_gather(tab, idx4.reshape(1, S_TOTAL))
    G4 = G.reshape(NC, NQP, LANES, 128)

    outq = _blend(G4, W4r).reshape(NQP, EMBED)
    res = _outproj(outq[:NQ], W_out, b_out, query[0])
    return res[None]

# --- scband reference (transcript-rebuilt; emitter-appended) ---
"""Pipeline reference for scband-spatial-cross-attention-28071906247021 (READ-ONLY COPY).

The authoritative reference and input builder live on the scoring server;
editing this copy changes nothing except your own understanding.
"""

import jax, jax.numpy as jnp
import numpy as np

EMBED = 256
NUM_HEADS = 8
NUM_LEVELS = 4
NUM_POINTS = 8
NUM_CAMS = 6
BS = 1
NQ = 2500
D_Z = 4
SPATIAL_SHAPES = np.array([[46, 80], [23, 40], [12, 20], [6, 10]], dtype=np.int64)
L_TOTAL = int((SPATIAL_SHAPES[:, 0] * SPATIAL_SHAPES[:, 1]).sum())


def setup_inputs(seed: int = 0):
    key = jax.random.key(seed)
    ks = jax.random.split(key, 16)
    s = 0.02
    inp = {}
    inp['query'] = jax.random.normal(ks[0], (BS, NQ, EMBED), dtype=jnp.float32)
    inp['key'] = jax.random.normal(ks[1], (NUM_CAMS, L_TOTAL, BS, EMBED), dtype=jnp.float32)
    inp['value'] = jax.random.normal(ks[2], (NUM_CAMS, L_TOTAL, BS, EMBED), dtype=jnp.float32)
    inp['query_pos'] = jax.random.normal(ks[3], (BS, NQ, EMBED), dtype=jnp.float32)
    inp['reference_points_cam'] = jax.random.uniform(ks[4], (NUM_CAMS, BS, NQ, D_Z, 2), dtype=jnp.float32)
    inp['bev_mask'] = jax.random.randint(ks[5], (NUM_CAMS, BS, NQ, D_Z), 0, 2).astype(bool)
    inp['spatial_shapes'] = jnp.asarray(SPATIAL_SHAPES)
    inp['level_start_index'] = jnp.asarray(np.concatenate([np.zeros(1, dtype=np.int64), np.cumsum(SPATIAL_SHAPES[:, 0] * SPATIAL_SHAPES[:, 1])[:-1]]))
    inp['W_v'] = jax.random.normal(ks[6], (EMBED, EMBED), dtype=jnp.float32) * s
    inp['b_v'] = jnp.zeros((EMBED,), dtype=jnp.float32)
    inp['W_off'] = jax.random.normal(ks[7], (EMBED, NUM_HEADS * NUM_LEVELS * NUM_POINTS * 2), dtype=jnp.float32) * s
    inp['b_off'] = jax.random.normal(ks[8], (NUM_HEADS * NUM_LEVELS * NUM_POINTS * 2,), dtype=jnp.float32) * s
    inp['W_attn'] = jax.random.normal(ks[9], (EMBED, NUM_HEADS * NUM_LEVELS * NUM_POINTS), dtype=jnp.float32) * s
    inp['b_attn'] = jnp.zeros((NUM_HEADS * NUM_LEVELS * NUM_POINTS,), dtype=jnp.float32)
    inp['W_out'] = jax.random.normal(ks[10], (EMBED, EMBED), dtype=jnp.float32) * s
    inp['b_out'] = jnp.zeros((EMBED,), dtype=jnp.float32)
    return inp


def _grid_sample(img, grid, H, W):
    # img: (N, C, H, W); grid: (N, P, 2) in [-1, 1]; bilinear, zeros padding, align_corners=False
    x = (grid[..., 0] + 1.0) * (W * 0.5) - 0.5
    y = (grid[..., 1] + 1.0) * (H * 0.5) - 0.5
    x0 = jnp.floor(x)
    y0 = jnp.floor(y)
    x1 = x0 + 1.0
    y1 = y0 + 1.0
    wx1 = x - x0
    wx0 = 1.0 - wx1
    wy1 = y - y0
    wy0 = 1.0 - wy1
    N, C = img.shape[0], img.shape[1]
    flat = img.reshape(N, C, H * W)

    def gather(yy, xx):
        valid = ((xx >= 0) & (xx <= W - 1) & (yy >= 0) & (yy <= H - 1)).astype(img.dtype)
        xi = jnp.clip(xx, 0, W - 1).astype(jnp.int32)
        yi = jnp.clip(yy, 0, H - 1).astype(jnp.int32)
        idx = yi * W + xi
        vals = jnp.take_along_axis(flat, idx[:, None, :], axis=2)
        return vals * valid[:, None, :]

    out = (gather(y0, x0) * (wy0 * wx0)[:, None, :]
           + gather(y0, x1) * (wy0 * wx1)[:, None, :]
           + gather(y1, x0) * (wy1 * wx0)[:, None, :]
           + gather(y1, x1) * (wy1 * wx1)[:, None, :])
    return out


def _ms_deform_attn(value, sampling_locations, attention_weights):
    B, Lt, H_, hd = value.shape
    _, nq, _, nl, npts, _ = sampling_locations.shape
    sizes = [int(h * w) for h, w in SPATIAL_SHAPES]
    splits = np.cumsum(sizes)[:-1].tolist()
    value_list = jnp.split(value, splits, axis=1)
    grids = 2.0 * sampling_locations - 1.0
    lvl_out = []
    for lvl in range(nl):
        h, w = int(SPATIAL_SHAPES[lvl, 0]), int(SPATIAL_SHAPES[lvl, 1])
        v = value_list[lvl].reshape(B, h, w, H_, hd).transpose(0, 3, 4, 1, 2).reshape(B * H_, hd, h, w)
        g = grids[:, :, :, lvl].transpose(0, 2, 1, 3, 4).reshape(B * H_, nq * npts, 2)
        s = _grid_sample(v, g, h, w).reshape(B, H_, hd, nq, npts)
        lvl_out.append(s)
    stacked = jnp.stack(lvl_out, axis=4)  # (B, H, hd, nq, nl, npts)
    w_ = attention_weights.transpose(0, 2, 1, 3, 4)  # (B, H, nq, nl, npts)
    out = (stacked * w_[:, :, None]).sum(axis=(4, 5))  # (B, H, hd, nq)
    return out.transpose(0, 3, 1, 2).reshape(B, nq, H_ * hd)


def _forward(query, key, value, query_pos, reference_points_cam, bev_mask, W_v, b_v, W_off, b_off, W_attn, b_attn, W_out, b_out):
    inp_residual = query
    q = query + query_pos
    num_cams, l, bs, embed = key.shape
    nq = q.shape[1]
    hd = embed // NUM_HEADS
    val = value.transpose(2, 0, 1, 3).reshape(bs * num_cams, l, embed)
    val = val @ W_v + b_v
    val = val.reshape(bs * num_cams, l, NUM_HEADS, hd)
    qc = jnp.broadcast_to(q[:, None], (bs, num_cams, nq, embed)).reshape(bs * num_cams, nq, embed)
    ref = reference_points_cam.transpose(1, 0, 2, 3, 4).reshape(bs * num_cams, nq, D_Z, 2)
    off = (qc @ W_off + b_off).reshape(bs * num_cams, nq, NUM_HEADS, NUM_LEVELS, NUM_POINTS, 2)
    aw = (qc @ W_attn + b_attn).reshape(bs * num_cams, nq, NUM_HEADS, NUM_LEVELS * NUM_POINTS)
    aw = jax.nn.softmax(aw, axis=-1).reshape(bs * num_cams, nq, NUM_HEADS, NUM_LEVELS, NUM_POINTS)
    ss = jnp.asarray(SPATIAL_SHAPES)
    normalizer = jnp.stack([ss[:, 1], ss[:, 0]], axis=-1).astype(jnp.float32)
    off = off / normalizer[None, None, None, :, None, :]
    off = off.reshape(bs * num_cams, nq, NUM_HEADS, NUM_LEVELS, NUM_POINTS // D_Z, D_Z, 2)
    loc = ref[:, :, None, None, None, :, :] + off
    loc = loc.reshape(bs * num_cams, nq, NUM_HEADS, NUM_LEVELS, NUM_POINTS, 2)
    out = _ms_deform_attn(val, loc, aw).reshape(bs, num_cams, nq, embed)
    mask = (jnp.sum(bev_mask, axis=-1) > 0).astype(jnp.float32).transpose(1, 0, 2)  # (bs, num_cams, nq)
    slots = (out * mask[..., None]).sum(axis=1)
    count = jnp.clip(mask.sum(axis=1), 1.0, None)
    slots = slots / count[..., None]
    slots = slots @ W_out + b_out
    return slots + inp_residual


def reference(query, key, value, query_pos, reference_points_cam, bev_mask, spatial_shapes, level_start_index, W_v, b_v, W_off, b_off, W_attn, b_attn, W_out, b_out):
    return _forward(query, key, value, query_pos, reference_points_cam, bev_mask, W_v, b_v, W_off, b_off, W_attn, b_attn, W_out, b_out)

if __name__ == "__main__":
    import jax
    _d = setup_inputs()
    print(jax.jit(kernel)(*tuple(_d.values())))

</pallas_src>

<mosaic_0001>
#map = affine_map<(d0, d1) -> (0, 0)>
module attributes {stable_mosaic.version = 14 : i64} {
  func.func @sck(%arg0: i32, %arg1: i32, %arg2: memref<246768x128xf32, #tpu.memory_space<hbm>>, %arg3: memref<1x3932160xi32, #tpu.memory_space<hbm>>, %arg4: memref<3932160x128xf32, #tpu.memory_space<hbm>>) attributes {dimension_semantics = [#tpu.dimension_semantics<core_parallel>, #tpu.dimension_semantics<subcore_parallel>], iteration_bounds = array<i64: 2, 16>, scalar_prefetch = 0 : i64, scratch_operands = 0 : i64, tpu.core_type = #tpu.core_type<sc_vector_subcore>, window_params = [{transform_indices = #map}, {transform_indices = #map}, {transform_indices = #map}]} {
    %mul3A = arith.constant 1 : i32
    %mul3A_0 = arith.muli %arg1, %mul3A : i32
    %add3A = arith.constant 0 : i32
    %add3A_1 = arith.addi %add3A, %mul3A_0 : i32
    %mul3A_2 = arith.constant 16 : i32
    %mul3A_3 = arith.muli %arg0, %mul3A_2 : i32
    %add3A_4 = arith.addi %add3A_1, %mul3A_3 : i32
    %mul3A_5 = arith.constant 960 : i32
    %mul3A_6 = arith.muli %add3A_4, %mul3A_5 : i32
    "tpu.region"() ({
      %run_scoped3A = memref.alloca() : memref<2x1x128xi32, #tpu.memory_space<vmem>>
      %run_scoped3A_7 = tpu.sem_alloc : memref<2x!tpu.dma_semaphore, #tpu.memory_space<semaphore_mem>>
      %run_scoped3A_8 = memref.alloca() : memref<2x128x128xf32, #tpu.memory_space<vmem>>
      %run_scoped3A_9 = tpu.sem_alloc : memref<2x!tpu.dma_semaphore, #tpu.memory_space<semaphore_mem>>
      %add3A_10 = arith.constant 0 : i32
      %add3A_11 = arith.addi %add3A_10, %mul3A_6 : i32
      %select_n3A = arith.constant true
      %select_n3A_12 = arith.constant 0 : i32
      %select_n3A_13 = arith.constant -1 : i32
      %select_n3A_14 = arith.select %select_n3A, %select_n3A_13, %select_n3A_12 : i32
      %eq3A = arith.constant -1 : i32
      %eq3A_15 = arith.cmpi eq, %select_n3A_14, %eq3A : i32
      %select_n3A_16 = arith.constant 959 : i32
      %select_n3A_17 = arith.select %eq3A_15, %select_n3A_16, %select_n3A_14 : i32
      %add3A_18 = arith.addi %select_n3A_17, %mul3A_6 : i32
      %select_n3A_19 = arith.constant true
      %select_n3A_20 = arith.constant 0 : i32
      %select_n3A_21 = arith.constant 1 : i32
      %select_n3A_22 = arith.select %select_n3A_19, %select_n3A_21, %select_n3A_20 : i32
      %eq3A_23 = arith.constant 960 : i32
      %eq3A_24 = arith.cmpi eq, %select_n3A_22, %eq3A_23 : i32
      %select_n3A_25 = arith.constant 0 : i32
      %select_n3A_26 = arith.select %eq3A_24, %select_n3A_25, %select_n3A_22 : i32
      %add3A_27 = arith.addi %select_n3A_26, %mul3A_6 : i32
      %add3A_28 = arith.constant 1 : i32
      %add3A_29 = arith.addi %select_n3A_26, %add3A_28 : i32
      %select_n3A_30 = arith.constant true
      %select_n3A_31 = arith.select %select_n3A_30, %add3A_29, %select_n3A_26 : i32
      %eq3A_32 = arith.constant 960 : i32
      %eq3A_33 = arith.cmpi eq, %select_n3A_31, %eq3A_32 : i32
      %select_n3A_34 = arith.constant 0 : i32
      %select_n3A_35 = arith.select %eq3A_33, %select_n3A_34, %select_n3A_31 : i32
      %add3A_36 = arith.addi %select_n3A_35, %mul3A_6 : i32
      "tpu.trace_start"() <{level = 10 : i32, message = "ep_initialize_0"}> : () -> ()
      %rem3A = arith.constant 0 : i32
      %rem3A_37 = arith.constant 2 : i32
      %rem3A_38 = arith.remui %rem3A, %rem3A_37 : i32
      %mul3A_39 = arith.constant 128 : i32
      %mul3A_40 = arith.muli %mul3A_39, %add3A_11 : i32
      %dma_start3A = arith.constant 0 : i32
      %dma_start3A_41 = arith.constant 0 : i32
      %dma_start3A_42 = tpu.memref_slice %run_scoped3A[%rem3A_38, %dma_start3A, %dma_start3A_41] : memref<2x1x128xi32, #tpu.memory_space<vmem>> -> memref<1x1x128xi32, #tpu.memory_space<vmem>>
      %dma_start3A_43 = tpu.memref_squeeze %dma_start3A_42 : memref<1x1x128xi32, #tpu.memory_space<vmem>> -> memref<1x128xi32, #tpu.memory_space<vmem>>
      %dma_start3A_44 = arith.constant 0 : i32
      %dma_start3A_45 = tpu.memref_slice %arg3[%dma_start3A_44, %mul3A_40] : memref<1x3932160xi32, #tpu.memory_space<hbm>> -> memref<1x128xi32, #tpu.memory_space<hbm>>
      %dma_start3A_46 = tpu.memref_slice %run_scoped3A_7[%rem3A_38] : memref<2x!tpu.dma_semaphore, #tpu.memory_space<semaphore_mem>> -> memref<1x!tpu.dma_semaphore, #tpu.memory_space<semaphore_mem>>
      %dma_start3A_47 = tpu.memref_squeeze %dma_start3A_46 : memref<1x!tpu.dma_semaphore, #tpu.memory_space<semaphore_mem>> -> memref<!tpu.dma_semaphore, #tpu.memory_space<semaphore_mem>>
      %dma_start3A_48 = arith.constant 0 : i32
      %dma_start3A_49 = arith.constant 0 : i32
      %dma_start3A_50 = tpu.memref_slice %run_scoped3A[%rem3A_38, %dma_start3A_48, %dma_start3A_49] : memref<2x1x128xi32, #tpu.memory_space<vmem>> -> memref<1x1x128xi32, #tpu.memory_space<vmem>>
      %dma_start3A_51 = tpu.memref_squeeze %dma_start3A_50 : memref<1x1x128xi32, #tpu.memory_space<vmem>> -> memref<1x128xi32, #tpu.memory_space<vmem>>
      %dma_start3A_52 = arith.constant 0 : i32
      %dma_start3A_53 = tpu.memref_slice %arg3[%dma_start3A_52, %mul3A_40] : memref<1x3932160xi32, #tpu.memory_space<hbm>> -> memref<1x128xi32, #tpu.memory_space<hbm>>
      tpu.enqueue_dma source(%dma_start3A_53 : memref<1x128xi32, #tpu.memory_space<hbm>>) target(%dma_start3A_51 : memref<1x128xi32, #tpu.memory_space<vmem>>) target_semaphore(%dma_start3A_47 : memref<!tpu.dma_semaphore, #tpu.memory_space<semaphore_mem>>)
      %add3A_54 = arith.constant 0 : i32
      %add3A_55 = arith.constant 1 : i32
      %add3A_56 = arith.addi %add3A_54, %add3A_55 : i32
      %select_n3A_57 = arith.constant true
      %select_n3A_58 = arith.constant 0 : i32
      %select_n3A_59 = arith.select %select_n3A_57, %add3A_56, %select_n3A_58 : i32
      "tpu.trace_stop"() : () -> ()
      %scan3A = arith.constant 0 : i32
      %scan3A_60 = arith.constant 0 : i32
      %scan3A_61 = arith.constant 0 : i32
      %scan3A_62 = arith.constant 0 : i32
      %scan3A_63 = arith.constant 0 : i32
      %scan3A_64 = arith.constant 960 : i32
      %scan3A_65 = arith.addi %scan3A_63, %scan3A_64 : i32
      %scan3A_66 = arith.constant 1 : i32
      %scan3A_67:5 = scf.for %scan3A_121 = %scan3A_63 to %scan3A_65 step %scan3A_66 iter_args(%scan3A_122 = %select_n3A_59, %scan3A_123 = %scan3A, %scan3A_124 = %scan3A_60, %scan3A_125 = %scan3A_61, %scan3A_126 = %scan3A_62) -> (i32, i32, i32, i32, i32)  : i32 {
        %eq3A_127 = arith.constant 0 : i32
        %eq3A_128 = arith.cmpi eq, %scan3A_121, %eq3A_127 : i32
        %eq3A_129 = arith.constant 959 : i32
        %eq3A_130 = arith.cmpi eq, %scan3A_121, %eq3A_129 : i32
        %add3A_131 = arith.addi %scan3A_126, %mul3A_6 : i32
        %sub3A_132 = arith.constant 1 : i32
        %sub3A_133 = arith.subi %scan3A_126, %sub3A_132 : i32
        %select_n3A_134 = arith.constant true
        %select_n3A_135 = arith.select %select_n3A_134, %sub3A_133, %scan3A_126 : i32
        %eq3A_136 = arith.constant -1 : i32
        %eq3A_137 = arith.cmpi eq, %select_n3A_135, %eq3A_136 : i32
        %select_n3A_138 = arith.constant 959 : i32
        %select_n3A_139 = arith.select %eq3A_137, %select_n3A_138, %select_n3A_135 : i32
        %add3A_140 = arith.addi %select_n3A_139, %mul3A_6 : i32
        %add3A_141 = arith.constant 1 : i32
        %add3A_142 = arith.addi %scan3A_126, %add3A_141 : i32
        %select_n3A_143 = arith.constant true
        %select_n3A_144 = arith.select %select_n3A_143, %add3A_142, %scan3A_126 : i32
        %eq3A_145 = arith.constant 960 : i32
        %eq3A_146 = arith.cmpi eq, %select_n3A_144, %eq3A_145 : i32
        %select_n3A_147 = arith.constant 0 : i32
        %select_n3A_148 = arith.select %eq3A_146, %select_n3A_147, %select_n3A_144 : i32
        %add3A_149 = arith.addi %select_n3A_148, %mul3A_6 : i32
        %add3A_150 = arith.constant 1 : i32
        %add3A_151 = arith.addi %select_n3A_148, %add3A_150 : i32
        %select_n3A_152 = arith.constant true
        %select_n3A_153 = arith.select %select_n3A_152, %add3A_151, %select_n3A_148 : i32
        %eq3A_154 = arith.constant 960 : i32
        %eq3A_155 = arith.cmpi eq, %select_n3A_153, %eq3A_154 : i32
        %select_n3A_156 = arith.constant 0 : i32
        %select_n3A_157 = arith.select %eq3A_155, %select_n3A_156, %select_n3A_153 : i32
        %add3A_158 = arith.addi %select_n3A_157, %mul3A_6 : i32
        %ne3A = arith.cmpi ne, %add3A_131, %add3A_149 : i32
        %or3A = arith.constant false
        %or3A_159 = arith.ori %or3A, %ne3A : i1
        %ge3A = arith.constant 959 : i32
        %ge3A_160 = arith.cmpi sge, %scan3A_121, %ge3A : i32
        %not3A = arith.constant true
        %not3A_161 = arith.xori %ge3A_160, %not3A : i1
        %and3A = arith.andi %or3A_159, %not3A_161 : i1
        %convert_element_type3A = arith.extui %and3A : i1 to i32
        %cond3A = arith.constant 0 : i32
        %cond3A_162 = arith.cmpi ne, %convert_element_type3A, %cond3A : i32
        scf.if %cond3A_162 {
          "tpu.trace_start"() <{level = 10 : i32, message = "ep_copy_in"}> : () -> ()
          %rem3A_264 = arith.constant 2 : i32
          %rem3A_265 = arith.remui %scan3A_122, %rem3A_264 : i32
          %mul3A_266 = arith.constant 128 : i32
          %mul3A_267 = arith.muli %mul3A_266, %add3A_149 : i32
          %dma_start3A_268 = arith.constant 0 : i32
          %dma_start3A_269 = arith.constant 0 : i32
          %dma_start3A_270 = tpu.memref_slice %run_scoped3A[%rem3A_265, %dma_start3A_268, %dma_start3A_269] : memref<2x1x128xi32, #tpu.memory_space<vmem>> -> memref<1x1x128xi32, #tpu.memory_space<vmem>>
          %dma_start3A_271 = tpu.memref_squeeze %dma_start3A_270 : memref<1x1x128xi32, #tpu.memory_space<vmem>> -> memref<1x128xi32, #tpu.memory_space<vmem>>
          %dma_start3A_272 = arith.constant 0 : i32
          %dma_start3A_273 = tpu.memref_slice %arg3[%dma_start3A_272, %mul3A_267] : memref<1x3932160xi32, #tpu.memory_space<hbm>> -> memref<1x128xi32, #tpu.memory_space<hbm>>
          %dma_start3A_274 = tpu.memref_slice %run_scoped3A_7[%rem3A_265] : memref<2x!tpu.dma_semaphore, #tpu.memory_space<semaphore_mem>> -> memref<1x!tpu.dma_semaphore, #tpu.memory_space<semaphore_mem>>
          %dma_start3A_275 = tpu.memref_squeeze %dma_start3A_274 : memref<1x!tpu.dma_semaphore, #tpu.memory_space<semaphore_mem>> -> memref<!tpu.dma_semaphore, #tpu.memory_space<semaphore_mem>>
          %dma_start3A_276 = arith.constant 0 : i32
          %dma_start3A_277 = arith.constant 0 : i32
          %dma_start3A_278 = tpu.memref_slice %run_scoped3A[%rem3A_265, %dma_start3A_276, %dma_start3A_277] : memref<2x1x128xi32, #tpu.memory_space<vmem>> -> memref<1x1x128xi32, #tpu.memory_space<vmem>>
          %dma_start3A_279 = tpu.memref_squeeze %dma_start3A_278 : memref<1x1x128xi32, #tpu.memory_space<vmem>> -> memref<1x128xi32, #tpu.memory_space<vmem>>
          %dma_start3A_280 = arith.constant 0 : i32
          %dma_start3A_281 = tpu.memref_slice %arg3[%dma_start3A_280, %mul3A_267] : memref<1x3932160xi32, #tpu.memory_space<hbm>> -> memref<1x128xi32, #tpu.memory_space<hbm>>
          tpu.enqueue_dma source(%dma_start3A_281 : memref<1x128xi32, #tpu.memory_space<hbm>>) target(%dma_start3A_279 : memref<1x128xi32, #tpu.memory_space<vmem>>) target_semaphore(%dma_start3A_275 : memref<!tpu.dma_semaphore, #tpu.memory_space<semaphore_mem>>)
          "tpu.trace_stop"() : () -> ()
        } else {
        }
        %and3A_163 = arith.constant true
        %and3A_164 = arith.andi %and3A, %and3A_163 : i1
        %add3A_165 = arith.constant 1 : i32
        %add3A_166 = arith.addi %scan3A_122, %add3A_165 : i32
        %select_n3A_167 = arith.select %and3A_164, %add3A_166, %scan3A_122 : i32
        %ne3A_168 = arith.cmpi ne, %add3A_131, %add3A_149 : i32
        %or3A_169 = arith.constant false
        %or3A_170 = arith.ori %or3A_169, %ne3A_168 : i1
        %or3A_171 = arith.constant false
        %or3A_172 = arith.ori %or3A_170, %or3A_171 : i1
        %ge3A_173 = arith.constant 959 : i32
        %ge3A_174 = arith.cmpi sge, %scan3A_121, %ge3A_173 : i32
        %not3A_175 = arith.constant true
        %not3A_176 = arith.xori %ge3A_174, %not3A_175 : i1
        %and3A_177 = arith.andi %or3A_172, %not3A_176 : i1
        %ne3A_178 = arith.cmpi ne, %add3A_131, %add3A_140 : i32
        %or3A_179 = arith.constant false
        %or3A_180 = arith.ori %or3A_179, %ne3A_178 : i1
        %or3A_181 = arith.ori %or3A_180, %eq3A_128 : i1
        %convert_element_type3A_182 = arith.extui %or3A_181 : i1 to i32
        %cond3A_183 = arith.constant 0 : i32
        %cond3A_184 = arith.cmpi ne, %convert_element_type3A_182, %cond3A_183 : i32
        scf.if %cond3A_184 {
          "tpu.trace_start"() <{level = 10 : i32, message = "ep_wait_in"}> : () -> ()
          %mul3A_264 = arith.constant 128 : i32
          %mul3A_265 = arith.muli %mul3A_264, %add3A_131 : i32
          %rem3A_266 = arith.constant 2 : i32
          %rem3A_267 = arith.remui %scan3A_123, %rem3A_266 : i32
          %dma_wait3A_268 = arith.constant 0 : i32
          %dma_wait3A_269 = arith.constant 0 : i32
          %dma_wait3A_270 = tpu.memref_slice %run_scoped3A[%rem3A_267, %dma_wait3A_268, %dma_wait3A_269] : memref<2x1x128xi32, #tpu.memory_space<vmem>> -> memref<1x1x128xi32, #tpu.memory_space<vmem>>
          %dma_wait3A_271 = tpu.memref_squeeze %dma_wait3A_270 : memref<1x1x128xi32, #tpu.memory_space<vmem>> -> memref<1x128xi32, #tpu.memory_space<vmem>>
          %dma_wait3A_272 = arith.constant 0 : i32
          %dma_wait3A_273 = tpu.memref_slice %arg3[%dma_wait3A_272, %mul3A_265] : memref<1x3932160xi32, #tpu.memory_space<hbm>> -> memref<1x128xi32, #tpu.memory_space<hbm>>
          %dma_wait3A_274 = tpu.memref_slice %run_scoped3A_7[%rem3A_267] : memref<2x!tpu.dma_semaphore, #tpu.memory_space<semaphore_mem>> -> memref<1x!tpu.dma_semaphore, #tpu.memory_space<semaphore_mem>>
          %dma_wait3A_275 = tpu.memref_squeeze %dma_wait3A_274 : memref<1x!tpu.dma_semaphore, #tpu.memory_space<semaphore_mem>> -> memref<!tpu.dma_semaphore, #tpu.memory_space<semaphore_mem>>
          %dma_wait3A_276 = arith.constant 0 : i32
          %dma_wait3A_277 = arith.constant 0 : i32
          %dma_wait3A_278 = tpu.memref_slice %run_scoped3A[%rem3A_267, %dma_wait3A_276, %dma_wait3A_277] : memref<2x1x128xi32, #tpu.memory_space<vmem>> -> memref<1x1x128xi32, #tpu.memory_space<vmem>>
          %dma_wait3A_279 = tpu.memref_squeeze %dma_wait3A_278 : memref<1x1x128xi32, #tpu.memory_space<vmem>> -> memref<1x128xi32, #tpu.memory_space<vmem>>
          %dma_wait3A_280 = arith.constant 0 : i32
          %dma_wait3A_281 = tpu.memref_slice %arg3[%dma_wait3A_280, %mul3A_265] : memref<1x3932160xi32, #tpu.memory_space<hbm>> -> memref<1x128xi32, #tpu.memory_space<hbm>>
          tpu.wait_dma2 semaphore(%dma_wait3A_275 : memref<!tpu.dma_semaphore, #tpu.memory_space<semaphore_mem>>) src(%dma_wait3A_281 : memref<1x128xi32, #tpu.memory_space<hbm>>) dst(%dma_wait3A_279 : memref<1x128xi32, #tpu.memory_space<vmem>>)
          "tpu.trace_stop"() : () -> ()
        } else {
        }
        %ne3A_185 = arith.cmpi ne, %add3A_131, %add3A_140 : i32
        %or3A_186 = arith.constant false
        %or3A_187 = arith.ori %or3A_186, %ne3A_185 : i1
        %or3A_188 = arith.constant false
        %or3A_189 = arith.ori %or3A_187, %or3A_188 : i1
        %or3A_190 = arith.ori %or3A_189, %eq3A_128 : i1
        %convert_element_type3A_191 = arith.extui %or3A_190 : i1 to i32
        %cond3A_192 = arith.constant 0 : i32
        %cond3A_193 = arith.cmpi ne, %convert_element_type3A_191, %cond3A_192 : i32
        scf.if %cond3A_193 {
        } else {
        }
        %rem3A_194 = arith.constant 2 : i32
        %rem3A_195 = arith.remui %scan3A_123, %rem3A_194 : i32
        %rem3A_196 = arith.constant 2 : i32
        %rem3A_197 = arith.remui %scan3A_124, %rem3A_196 : i32
        %run_scoped3A_198 = arith.constant 0 : i32
        "tpu.trace_start"() <{level = 10 : i32, message = "ep_run_kernel"}> : () -> ()
        "tpu.region"() ({
          %run_scoped3A_264 = tpu.sem_alloc : memref<!tpu.dma_semaphore, #tpu.memory_space<semaphore_mem>>
          %dma_start3A_265 = arith.constant 0 : i32
          %dma_start3A_266 = arith.constant 0 : i32
          %dma_start3A_267 = tpu.memref_slice %run_scoped3A_8[%rem3A_197, %dma_start3A_265, %dma_start3A_266] : memref<2x128x128xf32, #tpu.memory_space<vmem>> -> memref<1x128x128xf32, #tpu.memory_space<vmem>>
          %dma_start3A_268 = tpu.memref_squeeze %dma_start3A_267 : memref<1x128x128xf32, #tpu.memory_space<vmem>> -> memref<128x128xf32, #tpu.memory_space<vmem>>
          %dma_start3A_269 = arith.constant 0 : i32
          %dma_start3A_270 = arith.constant 0 : i32
          %dma_start3A_271 = tpu.memref_slice %run_scoped3A[%rem3A_195, %dma_start3A_269, %dma_start3A_270] : memref<2x1x128xi32, #tpu.memory_space<vmem>> -> memref<1x1x128xi32, #tpu.memory_space<vmem>>
          %dma_start3A_272 = tpu.memref_squeeze %dma_start3A_271 : memref<1x1x128xi32, #tpu.memory_space<vmem>> -> memref<1x128xi32, #tpu.memory_space<vmem>>
          %dma_start3A_273 = arith.constant 0 : i32
          %dma_start3A_274 = tpu.memref_slice %dma_start3A_272[%run_scoped3A_198, %dma_start3A_273] : memref<1x128xi32, #tpu.memory_space<vmem>> -> memref<1x128xi32, #tpu.memory_space<vmem>>
          %dma_start3A_275 = tpu.memref_squeeze %dma_start3A_274 : memref<1x128xi32, #tpu.memory_space<vmem>> -> memref<128xi32, #tpu.memory_space<vmem>>
          %dma_start3A_276 = arith.constant 0 : i32
          %dma_start3A_277 = arith.constant 0 : i32
          %dma_start3A_278 = tpu.memref_slice %arg2[%dma_start3A_276, %dma_start3A_277] : memref<246768x128xf32, #tpu.memory_space<hbm>> -> memref<246768x128xf32, #tpu.memory_space<hbm>>
          tpu.enqueue_indirect_dma source(%dma_start3A_278 : memref<246768x128xf32, #tpu.memory_space<hbm>>) target(%dma_start3A_268 : memref<128x128xf32, #tpu.memory_space<vmem>>) offsets(%dma_start3A_275 : memref<128xi32, #tpu.memory_space<vmem>>) semaphore(%run_scoped3A_264 : memref<!tpu.dma_semaphore, #tpu.memory_space<semaphore_mem>>)
          %dma_wait3A_279 = arith.constant 0 : i32
          %dma_wait3A_280 = arith.constant 0 : i32
          %dma_wait3A_281 = tpu.memref_slice %run_scoped3A_8[%rem3A_197, %dma_wait3A_279, %dma_wait3A_280] : memref<2x128x128xf32, #tpu.memory_space<vmem>> -> memref<1x128x128xf32, #tpu.memory_space<vmem>>
          %dma_wait3A_282 = tpu.memref_squeeze %dma_wait3A_281 : memref<1x128x128xf32, #tpu.memory_space<vmem>> -> memref<128x128xf32, #tpu.memory_space<vmem>>
          %dma_wait3A_283 = arith.constant 0 : i32
          %dma_wait3A_284 = arith.constant 0 : i32
          %dma_wait3A_285 = tpu.memref_slice %run_scoped3A[%rem3A_195, %dma_wait3A_283, %dma_wait3A_284] : memref<2x1x128xi32, #tpu.memory_space<vmem>> -> memref<1x1x128xi32, #tpu.memory_space<vmem>>
          %dma_wait3A_286 = tpu.memref_squeeze %dma_wait3A_285 : memref<1x1x128xi32, #tpu.memory_space<vmem>> -> memref<1x128xi32, #tpu.memory_space<vmem>>
          %dma_wait3A_287 = arith.constant 0 : i32
          %dma_wait3A_288 = tpu.memref_slice %dma_wait3A_286[%run_scoped3A_198, %dma_wait3A_287] : memref<1x128xi32, #tpu.memory_space<vmem>> -> memref<1x128xi32, #tpu.memory_space<vmem>>
          %dma_wait3A_289 = tpu.memref_squeeze %dma_wait3A_288 : memref<1x128xi32, #tpu.memory_space<vmem>> -> memref<128xi32, #tpu.memory_space<vmem>>
          %dma_wait3A_290 = arith.constant 0 : i32
          %dma_wait3A_291 = arith.constant 0 : i32
          %dma_wait3A_292 = tpu.memref_slice %arg2[%dma_wait3A_290, %dma_wait3A_291] : memref<246768x128xf32, #tpu.memory_space<hbm>> -> memref<246768x128xf32, #tpu.memory_space<hbm>>
          tpu.wait_indirect_dma semaphore(%run_scoped3A_264 : memref<!tpu.dma_semaphore, #tpu.memory_space<semaphore_mem>>) src(%dma_wait3A_292 : memref<246768x128xf32, #tpu.memory_space<hbm>>) dst(%dma_wait3A_282 : memref<128x128xf32, #tpu.memory_space<vmem>>)
          tpu.yield
        }) : () -> ()
        "tpu.trace_stop"() : () -> ()
        %ne3A_199 = arith.cmpi ne, %add3A_131, %add3A_149 : i32
        %or3A_200 = arith.constant false
        %or3A_201 = arith.ori %or3A_200, %ne3A_199 : i1
        %or3A_202 = arith.ori %or3A_201, %eq3A_130 : i1
        %convert_element_type3A_203 = arith.extui %or3A_202 : i1 to i32
        %cond3A_204 = arith.constant 0 : i32
        %cond3A_205 = arith.cmpi ne, %convert_element_type3A_203, %cond3A_204 : i32
        scf.if %cond3A_205 {
        } else {
        }
        %and3A_206 = arith.constant false
        %and3A_207 = arith.andi %or3A_202, %and3A_206 : i1
        %ne3A_208 = arith.cmpi ne, %add3A_131, %add3A_149 : i32
        %or3A_209 = arith.constant false
        %or3A_210 = arith.ori %or3A_209, %ne3A_208 : i1
        %or3A_211 = arith.constant false
        %or3A_212 = arith.ori %or3A_210, %or3A_211 : i1
        %or3A_213 = arith.ori %or3A_212, %eq3A_130 : i1
        %convert_element_type3A_214 = arith.extui %or3A_213 : i1 to i32
        %cond3A_215 = arith.constant 0 : i32
        %cond3A_216 = arith.cmpi ne, %convert_element_type3A_214, %cond3A_215 : i32
        scf.if %cond3A_216 {
          "tpu.trace_start"() <{level = 10 : i32, message = "ep_copy_out"}> : () -> ()
          %rem3A_264 = arith.constant 2 : i32
          %rem3A_265 = arith.remui %scan3A_124, %rem3A_264 : i32
          %mul3A_266 = arith.constant 128 : i32
          %mul3A_267 = arith.muli %mul3A_266, %add3A_131 : i32
          %dma_start3A_268 = arith.constant 0 : i32
          %dma_start3A_269 = arith.constant 0 : i32
          %dma_start3A_270 = tpu.memref_slice %run_scoped3A_8[%rem3A_265, %dma_start3A_268, %dma_start3A_269] : memref<2x128x128xf32, #tpu.memory_space<vmem>> -> memref<1x128x128xf32, #tpu.memory_space<vmem>>
          %dma_start3A_271 = tpu.memref_squeeze %dma_start3A_270 : memref<1x128x128xf32, #tpu.memory_space<vmem>> -> memref<128x128xf32, #tpu.memory_space<vmem>>
          %dma_start3A_272 = arith.constant 0 : i32
          %dma_start3A_273 = tpu.memref_slice %arg4[%mul3A_267, %dma_start3A_272] : memref<3932160x128xf32, #tpu.memory_space<hbm>> -> memref<128x128xf32, #tpu.memory_space<hbm>>
          %dma_start3A_274 = tpu.memref_slice %run_scoped3A_9[%rem3A_265] : memref<2x!tpu.dma_semaphore, #tpu.memory_space<semaphore_mem>> -> memref<1x!tpu.dma_semaphore, #tpu.memory_space<semaphore_mem>>
          %dma_start3A_275 = tpu.memref_squeeze %dma_start3A_274 : memref<1x!tpu.dma_semaphore, #tpu.memory_space<semaphore_mem>> -> memref<!tpu.dma_semaphore, #tpu.memory_space<semaphore_mem>>
          %dma_start3A_276 = arith.constant 0 : i32
          %dma_start3A_277 = tpu.memref_slice %arg4[%mul3A_267, %dma_start3A_276] : memref<3932160x128xf32, #tpu.memory_space<hbm>> -> memref<128x128xf32, #tpu.memory_space<hbm>>
          %dma_start3A_278 = arith.constant 0 : i32
          %dma_start3A_279 = arith.constant 0 : i32
          %dma_start3A_280 = tpu.memref_slice %run_scoped3A_8[%rem3A_265, %dma_start3A_278, %dma_start3A_279] : memref<2x128x128xf32, #tpu.memory_space<vmem>> -> memref<1x128x128xf32, #tpu.memory_space<vmem>>
          %dma_start3A_281 = tpu.memref_squeeze %dma_start3A_280 : memref<1x128x128xf32, #tpu.memory_space<vmem>> -> memref<128x128xf32, #tpu.memory_space<vmem>>
          tpu.enqueue_dma source(%dma_start3A_281 : memref<128x128xf32, #tpu.memory_space<vmem>>) target(%dma_start3A_277 : memref<128x128xf32, #tpu.memory_space<hbm>>) target_semaphore(%dma_start3A_275 : memref<!tpu.dma_semaphore, #tpu.memory_space<semaphore_mem>>)
          "tpu.trace_stop"() : () -> ()
        } else {
        }
        %and3A_217 = arith.constant true
        %and3A_218 = arith.andi %or3A_213, %and3A_217 : i1
        %add3A_219 = arith.constant 1 : i32
        %add3A_220 = arith.addi %scan3A_124, %add3A_219 : i32
        %select_n3A_221 = arith.select %and3A_218, %add3A_220, %scan3A_124 : i32
        %ne3A_222 = arith.cmpi ne, %add3A_131, %add3A_140 : i32
        %or3A_223 = arith.constant false
        %or3A_224 = arith.ori %or3A_223, %ne3A_222 : i1
        %not3A_225 = arith.constant true
        %not3A_226 = arith.xori %eq3A_128, %not3A_225 : i1
        %and3A_227 = arith.andi %or3A_224, %not3A_226 : i1
        %convert_element_type3A_228 = arith.extui %and3A_227 : i1 to i32
        %cond3A_229 = arith.constant 0 : i32
        %cond3A_230 = arith.cmpi ne, %convert_element_type3A_228, %cond3A_229 : i32
        scf.if %cond3A_230 {
        } else {
        }
        %and3A_231 = arith.constant false
        %and3A_232 = arith.andi %and3A_227, %and3A_231 : i1
        %ne3A_233 = arith.cmpi ne, %add3A_131, %add3A_140 : i32
        %or3A_234 = arith.constant false
        %or3A_235 = arith.ori %or3A_234, %ne3A_233 : i1
        %or3A_236 = arith.constant false
        %or3A_237 = arith.ori %or3A_235, %or3A_236 : i1
        %not3A_238 = arith.constant true
        %not3A_239 = arith.xori %eq3A_128, %not3A_238 : i1
        %and3A_240 = arith.andi %or3A_237, %not3A_239 : i1
        %convert_element_type3A_241 = arith.extui %and3A_240 : i1 to i32
        %cond3A_242 = arith.constant 0 : i32
        %cond3A_243 = arith.cmpi ne, %convert_element_type3A_241, %cond3A_242 : i32
        scf.if %cond3A_243 {
          "tpu.trace_start"() <{level = 10 : i32, message = "ep_wait_out"}> : () -> ()
          %rem3A_264 = arith.constant 2 : i32
          %rem3A_265 = arith.remui %scan3A_125, %rem3A_264 : i32
          %mul3A_266 = arith.constant 128 : i32
          %mul3A_267 = arith.muli %mul3A_266, %add3A_140 : i32
          %dma_wait3A_268 = arith.constant 0 : i32
          %dma_wait3A_269 = arith.constant 0 : i32
          %dma_wait3A_270 = tpu.memref_slice %run_scoped3A_8[%rem3A_265, %dma_wait3A_268, %dma_wait3A_269] : memref<2x128x128xf32, #tpu.memory_space<vmem>> -> memref<1x128x128xf32, #tpu.memory_space<vmem>>
          %dma_wait3A_271 = tpu.memref_squeeze %dma_wait3A_270 : memref<1x128x128xf32, #tpu.memory_space<vmem>> -> memref<128x128xf32, #tpu.memory_space<vmem>>
          %dma_wait3A_272 = arith.constant 0 : i32
          %dma_wait3A_273 = tpu.memref_slice %arg4[%mul3A_267, %dma_wait3A_272] : memref<3932160x128xf32, #tpu.memory_space<hbm>> -> memref<128x128xf32, #tpu.memory_space<hbm>>
          %dma_wait3A_274 = tpu.memref_slice %run_scoped3A_9[%rem3A_265] : memref<2x!tpu.dma_semaphore, #tpu.memory_space<semaphore_mem>> -> memref<1x!tpu.dma_semaphore, #tpu.memory_space<semaphore_mem>>
          %dma_wait3A_275 = tpu.memref_squeeze %dma_wait3A_274 : memref<1x!tpu.dma_semaphore, #tpu.memory_space<semaphore_mem>> -> memref<!tpu.dma_semaphore, #tpu.memory_space<semaphore_mem>>
          %dma_wait3A_276 = arith.constant 0 : i32
          %dma_wait3A_277 = tpu.memref_slice %arg4[%mul3A_267, %dma_wait3A_276] : memref<3932160x128xf32, #tpu.memory_space<hbm>> -> memref<128x128xf32, #tpu.memory_space<hbm>>
          %dma_wait3A_278 = arith.constant 0 : i32
          %dma_wait3A_279 = arith.constant 0 : i32
          %dma_wait3A_280 = tpu.memref_slice %run_scoped3A_8[%rem3A_265, %dma_wait3A_278, %dma_wait3A_279] : memref<2x128x128xf32, #tpu.memory_space<vmem>> -> memref<1x128x128xf32, #tpu.memory_space<vmem>>
          %dma_wait3A_281 = tpu.memref_squeeze %dma_wait3A_280 : memref<1x128x128xf32, #tpu.memory_space<vmem>> -> memref<128x128xf32, #tpu.memory_space<vmem>>
          tpu.wait_dma2 semaphore(%dma_wait3A_275 : memref<!tpu.dma_semaphore, #tpu.memory_space<semaphore_mem>>) src(%dma_wait3A_281 : memref<128x128xf32, #tpu.memory_space<vmem>>) dst(%dma_wait3A_277 : memref<128x128xf32, #tpu.memory_space<hbm>>)
          "tpu.trace_stop"() : () -> ()
        } else {
        }
        %and3A_244 = arith.constant true
        %and3A_245 = arith.andi %and3A_240, %and3A_244 : i1
        %add3A_246 = arith.constant 1 : i32
        %add3A_247 = arith.addi %scan3A_125, %add3A_246 : i32
        %select_n3A_248 = arith.select %and3A_245, %add3A_247, %scan3A_125 : i32
        %ne3A_249 = arith.cmpi ne, %add3A_131, %add3A_149 : i32
        %or3A_250 = arith.constant false
        %or3A_251 = arith.ori %or3A_250, %ne3A_249 : i1
        %or3A_252 = arith.ori %or3A_251, %eq3A_130 : i1
        %add3A_253 = arith.constant 1 : i32
        %add3A_254 = arith.addi %scan3A_123, %add3A_253 : i32
        %select_n3A_255 = arith.select %or3A_252, %add3A_254, %scan3A_123 : i32
        %add3A_256 = arith.constant 1 : i32
        %add3A_257 = arith.addi %scan3A_126, %add3A_256 : i32
        %select_n3A_258 = arith.constant true
        %select_n3A_259 = arith.select %select_n3A_258, %add3A_257, %scan3A_126 : i32
        %eq3A_260 = arith.constant 960 : i32
        %eq3A_261 = arith.cmpi eq, %select_n3A_259, %eq3A_260 : i32
        %select_n3A_262 = arith.constant 0 : i32
        %select_n3A_263 = arith.select %eq3A_261, %select_n3A_262, %select_n3A_259 : i32
        scf.yield %select_n3A_167, %select_n3A_255, %select_n3A_221, %select_n3A_248, %select_n3A_263 : i32, i32, i32, i32, i32
      }
      %scan3A_68 = arith.constant 960 : i32
      %sub3A = arith.constant 1 : i32
      %sub3A_69 = arith.subi %scan3A_67#4, %sub3A : i32
      %select_n3A_70 = arith.constant true
      %select_n3A_71 = arith.select %select_n3A_70, %sub3A_69, %scan3A_67#4 : i32
      %eq3A_72 = arith.constant -1 : i32
      %eq3A_73 = arith.cmpi eq, %select_n3A_71, %eq3A_72 : i32
      %select_n3A_74 = arith.constant 959 : i32
      %select_n3A_75 = arith.select %eq3A_73, %select_n3A_74, %select_n3A_71 : i32
      %add3A_76 = arith.addi %select_n3A_75, %mul3A_6 : i32
      %sub3A_77 = arith.constant 1 : i32
      %sub3A_78 = arith.subi %select_n3A_75, %sub3A_77 : i32
      %select_n3A_79 = arith.constant true
      %select_n3A_80 = arith.select %select_n3A_79, %sub3A_78, %select_n3A_75 : i32
      %eq3A_81 = arith.constant -1 : i32
      %eq3A_82 = arith.cmpi eq, %select_n3A_80, %eq3A_81 : i32
      %select_n3A_83 = arith.constant 959 : i32
      %select_n3A_84 = arith.select %eq3A_82, %select_n3A_83, %select_n3A_80 : i32
      %add3A_85 = arith.addi %select_n3A_84, %mul3A_6 : i32
      %add3A_86 = arith.constant 1 : i32
      %add3A_87 = arith.addi %select_n3A_75, %add3A_86 : i32
      %select_n3A_88 = arith.constant true
      %select_n3A_89 = arith.select %select_n3A_88, %add3A_87, %select_n3A_75 : i32
      %eq3A_90 = arith.constant 960 : i32
      %eq3A_91 = arith.cmpi eq, %select_n3A_89, %eq3A_90 : i32
      %select_n3A_92 = arith.constant 0 : i32
      %select_n3A_93 = arith.select %eq3A_91, %select_n3A_92, %select_n3A_89 : i32
      %add3A_94 = arith.addi %select_n3A_93, %mul3A_6 : i32
      %add3A_95 = arith.constant 1 : i32
      %add3A_96 = arith.addi %select_n3A_93, %add3A_95 : i32
      %select_n3A_97 = arith.constant true
      %select_n3A_98 = arith.select %select_n3A_97, %add3A_96, %select_n3A_93 : i32
      %eq3A_99 = arith.constant 960 : i32
      %eq3A_100 = arith.cmpi eq, %select_n3A_98, %eq3A_99 : i32
      %select_n3A_101 = arith.constant 0 : i32
      %select_n3A_102 = arith.select %eq3A_100, %select_n3A_101, %select_n3A_98 : i32
      %add3A_103 = arith.addi %select_n3A_102, %mul3A_6 : i32
      "tpu.trace_start"() <{level = 10 : i32, message = "ep_finalize"}> : () -> ()
      %rem3A_104 = arith.constant 2 : i32
      %rem3A_105 = arith.remui %scan3A_67#3, %rem3A_104 : i32
      %mul3A_106 = arith.constant 128 : i32
      %mul3A_107 = arith.muli %mul3A_106, %add3A_76 : i32
      %dma_wait3A = arith.constant 0 : i32
      %dma_wait3A_108 = arith.constant 0 : i32
      %dma_wait3A_109 = tpu.memref_slice %run_scoped3A_8[%rem3A_105, %dma_wait3A, %dma_wait3A_108] : memref<2x128x128xf32, #tpu.memory_space<vmem>> -> memref<1x128x128xf32, #tpu.memory_space<vmem>>
      %dma_wait3A_110 = tpu.memref_squeeze %dma_wait3A_109 : memref<1x128x128xf32, #tpu.memory_space<vmem>> -> memref<128x128xf32, #tpu.memory_space<vmem>>
      %dma_wait3A_111 = arith.constant 0 : i32
      %dma_wait3A_112 = tpu.memref_slice %arg4[%mul3A_107, %dma_wait3A_111] : memref<3932160x128xf32, #tpu.memory_space<hbm>> -> memref<128x128xf32, #tpu.memory_space<hbm>>
      %dma_wait3A_113 = tpu.memref_slice %run_scoped3A_9[%rem3A_105] : memref<2x!tpu.dma_semaphore, #tpu.memory_space<semaphore_mem>> -> memref<1x!tpu.dma_semaphore, #tpu.memory_space<semaphore_mem>>
      %dma_wait3A_114 = tpu.memref_squeeze %dma_wait3A_113 : memref<1x!tpu.dma_semaphore, #tpu.memory_space<semaphore_mem>> -> memref<!tpu.dma_semaphore, #tpu.memory_space<semaphore_mem>>
      %dma_wait3A_115 = arith.constant 0 : i32
      %dma_wait3A_116 = tpu.memref_slice %arg4[%mul3A_107, %dma_wait3A_115] : memref<3932160x128xf32, #tpu.memory_space<hbm>> -> memref<128x128xf32, #tpu.memory_space<hbm>>
      %dma_wait3A_117 = arith.constant 0 : i32
      %dma_wait3A_118 = arith.constant 0 : i32
      %dma_wait3A_119 = tpu.memref_slice %run_scoped3A_8[%rem3A_105, %dma_wait3A_117, %dma_wait3A_118] : memref<2x128x128xf32, #tpu.memory_space<vmem>> -> memref<1x128x128xf32, #tpu.memory_space<vmem>>
      %dma_wait3A_120 = tpu.memref_squeeze %dma_wait3A_119 : memref<1x128x128xf32, #tpu.memory_space<vmem>> -> memref<128x128xf32, #tpu.memory_space<vmem>>
      tpu.wait_dma2 semaphore(%dma_wait3A_114 : memref<!tpu.dma_semaphore, #tpu.memory_space<semaphore_mem>>) src(%dma_wait3A_120 : memref<128x128xf32, #tpu.memory_space<vmem>>) dst(%dma_wait3A_116 : memref<128x128xf32, #tpu.memory_space<hbm>>)
      "tpu.trace_stop"() : () -> ()
      tpu.yield
    }) : () -> ()
    return
  }
}

module attributes {stable_mosaic.version = 14 : i64} {
  func.func @_valproj_body(%arg0: i32, %arg1: memref<1x4900x256xf32, #tpu.memory_space<vmem>>, %arg2: memref<256x256xf32, #tpu.memory_space<vmem>>, %arg3: memref<1x256xf32, #tpu.memory_space<vmem>>, %arg4: memref<1x4900x256xf32, #tpu.memory_space<vmem>>) attributes {dimension_semantics = [#tpu.dimension_semantics<arbitrary>], iteration_bounds = array<i64: 6>, scalar_prefetch = 0 : i64, scratch_operands = 0 : i64, tpu.core_type = #tpu.core_type<tc>, window_params = [{transform_indices = @transform_0, window_bounds = array<i64: 1, 4900, 256>}, {pipeline_mode = #tpu.pipeline_mode<synchronous>, transform_indices = @transform_1, window_bounds = array<i64: 256, 256>}, {pipeline_mode = #tpu.pipeline_mode<synchronous>, transform_indices = @transform_2, window_bounds = array<i64: 1, 256>}, {transform_indices = @transform_3, window_bounds = array<i64: 1, 4900, 256>}]} {
    %get3A = arith.constant 0 : index
    %get3A_0 = arith.constant 0 : index
    %get3A_1 = arith.constant 0 : index
    %get3A_2 = vector.load %arg1[%get3A, %get3A_0, %get3A_1] : memref<1x4900x256xf32, #tpu.memory_space<vmem>>, vector<1x4900x256xf32>
    %get3A_3 = vector.shape_cast %get3A_2 : vector<1x4900x256xf32> to vector<4900x256xf32>
    %get3A_4 = arith.constant 0 : index
    %get3A_5 = arith.constant 0 : index
    %get3A_6 = vector.load %arg2[%get3A_4, %get3A_5] : memref<256x256xf32, #tpu.memory_space<vmem>>, vector<256x256xf32>
    %dot_general3A = arith.constant dense<0.000000e+00> : vector<4900x256xf32>
    %dot_general3A_7 = tpu.matmul %get3A_3, %get3A_6, %dot_general3A {dimension_numbers = #tpu.dot_dimension_numbers<[1], [0], [0], [1], [0, 0, 1, 1], [], []>, transpose_lhs_hint = false} : vector<4900x256xf32>, vector<256x256xf32>, vector<4900x256xf32> -> vector<4900x256xf32>
    %get3A_8 = arith.constant 0 : index
    %get3A_9 = arith.constant 0 : index
    %get3A_10 = vector.load %arg3[%get3A_8, %get3A_9] : memref<1x256xf32, #tpu.memory_space<vmem>>, vector<1x256xf32>
    %add3A = vector.broadcast %get3A_10 : vector<1x256xf32> to vector<4900x256xf32>
    %add3A_11 = arith.addf %dot_general3A_7, %add3A : vector<4900x256xf32>
    %swap3A = arith.constant 0 : index
    %swap3A_12 = arith.constant 0 : index
    %swap3A_13 = arith.constant 0 : index
    %swap3A_14 = vector.load %arg4[%swap3A, %swap3A_12, %swap3A_13] : memref<1x4900x256xf32, #tpu.memory_space<vmem>>, vector<1x4900x256xf32>
    %swap3A_15 = vector.shape_cast %swap3A_14 : vector<1x4900x256xf32> to vector<4900x256xf32>
    %swap3A_16 = vector.shape_cast %add3A_11 : vector<4900x256xf32> to vector<1x4900x256xf32>
    tpu.vector_store %arg4[%swap3A, %swap3A_12, %swap3A_13], %swap3A_16 {strides = array<i32>} : memref<1x4900x256xf32, #tpu.memory_space<vmem>>, vector<1x4900x256xf32>,
    return
  }
  func.func @transform_0(%arg0: i32) -> (i32, i32, i32) {
    %c0_i32 = arith.constant 0 : i32
    %c0_i32_0 = arith.constant 0 : i32
    %c0_i32_1 = arith.constant 0 : i32
    return %arg0, %c0_i32, %c0_i32_0 : i32, i32, i32
  }
  func.func @transform_1(%arg0: i32) -> (i32, i32) {
    %c0_i32 = arith.constant 0 : i32
    %c0_i32_0 = arith.constant 0 : i32
    %c0_i32_1 = arith.constant 0 : i32
    return %c0_i32, %c0_i32_0 : i32, i32
  }
  func.func @transform_2(%arg0: i32) -> (i32, i32) {
    %c0_i32 = arith.constant 0 : i32
    %c0_i32_0 = arith.constant 0 : i32
    %c0_i32_1 = arith.constant 0 : i32
    return %c0_i32, %c0_i32_0 : i32, i32
  }
  func.func @transform_3(%arg0: i32) -> (i32, i32, i32) {
    %c0_i32 = arith.constant 0 : i32
    %c0_i32_0 = arith.constant 0 : i32
    %c0_i32_1 = arith.constant 0 : i32
    return %arg0, %c0_i32, %c0_i32_0 : i32, i32, i32
  }
}

module attributes {stable_mosaic.version = 14 : i64} {
  func.func @_prep0_body(%arg0: i32, %arg1: memref<512x256xf32, #tpu.memory_space<vmem>>, %arg2: memref<512x256xf32, #tpu.memory_space<vmem>>, %arg3: memref<256x512xf32, #tpu.memory_space<vmem>>, %arg4: memref<1x512xf32, #tpu.memory_space<vmem>>, %arg5: memref<256x256xf32, #tpu.memory_space<vmem>>, %arg6: memref<1x256xf32, #tpu.memory_space<vmem>>, %arg7: memref<512x512xf32, #tpu.memory_space<vmem>>, %arg8: memref<512x256xf32, #tpu.memory_space<vmem>>) attributes {dimension_semantics = [#tpu.dimension_semantics<arbitrary>], iteration_bounds = array<i64: 5>, scalar_prefetch = 0 : i64, scratch_operands = 0 : i64, tpu.core_type = #tpu.core_type<tc>, window_params = [{transform_indices = @transform_0, window_bounds = array<i64: 512, 256>}, {transform_indices = @transform_1, window_bounds = array<i64: 512, 256>}, {pipeline_mode = #tpu.pipeline_mode<synchronous>, transform_indices = @transform_2, window_bounds = array<i64: 256, 512>}, {pipeline_mode = #tpu.pipeline_mode<synchronous>, transform_indices = @transform_3, window_bounds = array<i64: 1, 512>}, {pipeline_mode = #tpu.pipeline_mode<synchronous>, transform_indices = @transform_4, window_bounds = array<i64: 256, 256>}, {pipeline_mode = #tpu.pipeline_mode<synchronous>, transform_indices = @transform_5, window_bounds = array<i64: 1, 256>}, {transform_indices = @transform_6, window_bounds = array<i64: 512, 512>}, {transform_indices = @transform_7, window_bounds = array<i64: 512, 256>}]} {
    %get3A = arith.constant 0 : index
    %get3A_0 = arith.constant 0 : index
    %get3A_1 = vector.load %arg1[%get3A, %get3A_0] : memref<512x256xf32, #tpu.memory_space<vmem>>, vector<512x256xf32>
    %get3A_2 = arith.constant 0 : index
    %get3A_3 = arith.constant 0 : index
    %get3A_4 = vector.load %arg2[%get3A_2, %get3A_3] : memref<512x256xf32, #tpu.memory_space<vmem>>, vector<512x256xf32>
    %add3A = arith.addf %get3A_1, %get3A_4 : vector<512x256xf32>
    %get3A_5 = arith.constant 0 : index
    %get3A_6 = arith.constant 0 : index
    %get3A_7 = vector.load %arg3[%get3A_5, %get3A_6] : memref<256x512xf32, #tpu.memory_space<vmem>>, vector<256x512xf32>
    %dot_general3A = arith.constant dense<0.000000e+00> : vector<512x512xf32>
    %dot_general3A_8 = tpu.matmul %add3A, %get3A_7, %dot_general3A {dimension_numbers = #tpu.dot_dimension_numbers<[1], [0], [0], [1], [0, 0, 1, 1], [], []>, transpose_lhs_hint = false} : vector<512x256xf32>, vector<256x512xf32>, vector<512x512xf32> -> vector<512x512xf32>
    %get3A_9 = arith.constant 0 : index
    %get3A_10 = arith.constant 0 : index
    %get3A_11 = vector.load %arg4[%get3A_9, %get3A_10] : memref<1x512xf32, #tpu.memory_space<vmem>>, vector<1x512xf32>
    %add3A_12 = vector.broadcast %get3A_11 : vector<1x512xf32> to vector<512x512xf32>
    %add3A_13 = arith.addf %dot_general3A_8, %add3A_12 : vector<512x512xf32>
    %swap3A = arith.constant 0 : index
    %swap3A_14 = arith.constant 0 : index
    %swap3A_15 = vector.load %arg7[%swap3A, %swap3A_14] : memref<512x512xf32, #tpu.memory_space<vmem>>, vector<512x512xf32>
    tpu.vector_store %arg7[%swap3A, %swap3A_14], %add3A_13 {strides = array<i32>} : memref<512x512xf32, #tpu.memory_space<vmem>>, vector<512x512xf32>,
    %get3A_16 = arith.constant 0 : index
    %get3A_17 = arith.constant 0 : index
    %get3A_18 = vector.load %arg5[%get3A_16, %get3A_17] : memref<256x256xf32, #tpu.memory_space<vmem>>, vector<256x256xf32>
    %dot_general3A_19 = arith.constant dense<0.000000e+00> : vector<512x256xf32>
    %dot_general3A_20 = tpu.matmul %add3A, %get3A_18, %dot_general3A_19 {dimension_numbers = #tpu.dot_dimension_numbers<[1], [0], [0], [1], [0, 0, 1, 1], [], []>, transpose_lhs_hint = false} : vector<512x256xf32>, vector<256x256xf32>, vector<512x256xf32> -> vector<512x256xf32>
    %get3A_21 = arith.constant 0 : index
    %get3A_22 = arith.constant 0 : index
    %get3A_23 = vector.load %arg6[%get3A_21, %get3A_22] : memref<1x256xf32, #tpu.memory_space<vmem>>, vector<1x256xf32>
    %add3A_24 = vector.broadcast %get3A_23 : vector<1x256xf32> to vector<512x256xf32>
    %add3A_25 = arith.addf %dot_general3A_20, %add3A_24 : vector<512x256xf32>
    %reshape3A = vector.shape_cast %add3A_25 : vector<512x256xf32> to vector<512x8x32xf32>
    %reduce_max3A = arith.constant dense<0xFF800000> : vector<512x8xf32>
    %reduce_max3A_26 = vector.multi_reduction <maximumf>, %reshape3A, %reduce_max3A [2] : vector<512x8x32xf32> to vector<512x8xf32>
    %broadcast_in_dim3A = vector.shape_cast %reduce_max3A_26 : vector<512x8xf32> to vector<512x8x1xf32>
    %sub3A = vector.broadcast %broadcast_in_dim3A : vector<512x8x1xf32> to vector<512x8x32xf32>
    %sub3A_27 = arith.subf %reshape3A, %sub3A : vector<512x8x32xf32>
    %exp3A = math.exp %sub3A_27 : vector<512x8x32xf32>
    %reduce_sum3A = arith.constant dense<0.000000e+00> : vector<512x8xf32>
    %reduce_sum3A_28 = vector.multi_reduction <add>, %exp3A, %reduce_sum3A [2] : vector<512x8x32xf32> to vector<512x8xf32>
    %broadcast_in_dim3A_29 = vector.shape_cast %reduce_sum3A_28 : vector<512x8xf32> to vector<512x8x1xf32>
    %div3A = vector.broadcast %broadcast_in_dim3A_29 : vector<512x8x1xf32> to vector<512x8x32xf32>
    %div3A_30 = arith.divf %exp3A, %div3A : vector<512x8x32xf32>
    %reshape3A_31 = vector.shape_cast %div3A_30 : vector<512x8x32xf32> to vector<512x256xf32>
    %swap3A_32 = arith.constant 0 : index
    %swap3A_33 = arith.constant 0 : index
    %swap3A_34 = vector.load %arg8[%swap3A_32, %swap3A_33] : memref<512x256xf32, #tpu.memory_space<vmem>>, vector<512x256xf32>
    tpu.vector_store %arg8[%swap3A_32, %swap3A_33], %reshape3A_31 {strides = array<i32>} : memref<512x256xf32, #tpu.memory_space<vmem>>, vector<512x256xf32>,
    return
  }
  func.func @transform_0(%arg0: i32) -> (i32, i32) {
    %c0_i32 = arith.constant 0 : i32
    %c0_i32_0 = arith.constant 0 : i32
    return %arg0, %c0_i32 : i32, i32
  }
  func.func @transform_1(%arg0: i32) -> (i32, i32) {
    %c0_i32 = arith.constant 0 : i32
    %c0_i32_0 = arith.constant 0 : i32
    return %arg0, %c0_i32 : i32, i32
  }
  func.func @transform_2(%arg0: i32) -> (i32, i32) {
    %c0_i32 = arith.constant 0 : i32
    %c0_i32_0 = arith.constant 0 : i32
    %c0_i32_1 = arith.constant 0 : i32
    return %c0_i32, %c0_i32_0 : i32, i32
  }
  func.func @transform_3(%arg0: i32) -> (i32, i32) {
    %c0_i32 = arith.constant 0 : i32
    %c0_i32_0 = arith.constant 0 : i32
    %c0_i32_1 = arith.constant 0 : i32
    return %c0_i32, %c0_i32_0 : i32, i32
  }
  func.func @transform_4(%arg0: i32) -> (i32, i32) {
    %c0_i32 = arith.constant 0 : i32
    %c0_i32_0 = arith.constant 0 : i32
    %c0_i32_1 = arith.constant 0 : i32
    return %c0_i32, %c0_i32_0 : i32, i32
  }
  func.func @transform_5(%arg0: i32) -> (i32, i32) {
    %c0_i32 = arith.constant 0 : i32
    %c0_i32_0 = arith.constant 0 : i32
    %c0_i32_1 = arith.constant 0 : i32
    return %c0_i32, %c0_i32_0 : i32, i32
  }
  func.func @transform_6(%arg0: i32) -> (i32, i32) {
    %c0_i32 = arith.constant 0 : i32
    %c0_i32_0 = arith.constant 0 : i32
    return %arg0, %c0_i32 : i32, i32
  }
  func.func @transform_7(%arg0: i32) -> (i32, i32) {
    %c0_i32 = arith.constant 0 : i32
    %c0_i32_0 = arith.constant 0 : i32
    return %arg0, %c0_i32 : i32, i32
  }
}

module attributes {stable_mosaic.version = 14 : i64} {
  func.func @_maskscale_body(%arg0: memref<6x2560x4xf32, #tpu.memory_space<vmem>>, %arg1: memref<6x2560xf32, #tpu.memory_space<vmem>>) attributes {dimension_semantics = [], scalar_prefetch = 0 : i64, scratch_operands = 0 : i64, tpu.core_type = #tpu.core_type<tc>} {
    %get3A = arith.constant 0 : index
    %get3A_0 = arith.constant 0 : index
    %get3A_1 = arith.constant 0 : index
    %get3A_2 = vector.load %arg0[%get3A, %get3A_0, %get3A_1] : memref<6x2560x4xf32, #tpu.memory_space<vmem>>, vector<6x2560x4xf32>
    %reduce_sum3A = arith.constant dense<0.000000e+00> : vector<6x2560xf32>
    %reduce_sum3A_3 = vector.multi_reduction <add>, %get3A_2, %reduce_sum3A [2] : vector<6x2560x4xf32> to vector<6x2560xf32>
    %gt3A = arith.constant 0.000000e+00 : f32
    %gt3A_4 = vector.broadcast %gt3A : f32 to vector<6x2560xf32>
    %gt3A_5 = arith.cmpf ogt, %reduce_sum3A_3, %gt3A_4 : vector<6x2560xf32>
    %convert_element_type3A = arith.extui %gt3A_5 : vector<6x2560xi1> to vector<6x2560xi32>
    %convert_element_type3A_6 = arith.sitofp %convert_element_type3A : vector<6x2560xi32> to vector<6x2560xf32>
    %reduce_sum3A_7 = arith.constant dense<0.000000e+00> : vector<2560xf32>
    %reduce_sum3A_8 = vector.multi_reduction <add>, %convert_element_type3A_6, %reduce_sum3A_7 [0] : vector<6x2560xf32> to vector<2560xf32>
    %broadcast_in_dim3A = vector.shape_cast %reduce_sum3A_8 : vector<2560xf32> to vector<1x2560xf32>
    %jit3A = arith.constant 1.000000e+00 : f32
    %max3A = vector.broadcast %jit3A : f32 to vector<1x2560xf32>
    %max3A_9 = arith.maximumf %max3A, %broadcast_in_dim3A : vector<1x2560xf32>
    %div3A = vector.broadcast %max3A_9 : vector<1x2560xf32> to vector<6x2560xf32>
    %div3A_10 = arith.divf %convert_element_type3A_6, %div3A : vector<6x2560xf32>
    %swap3A = arith.constant 0 : index
    %swap3A_11 = arith.constant 0 : index
    %swap3A_12 = vector.load %arg1[%swap3A, %swap3A_11] : memref<6x2560xf32, #tpu.memory_space<vmem>>, vector<6x2560xf32>
    tpu.vector_store %arg1[%swap3A, %swap3A_11], %div3A_10 {strides = array<i32>} : memref<6x2560xf32, #tpu.memory_space<vmem>>, vector<6x2560xf32>,
    return
  }
}

module attributes {stable_mosaic.version = 14 : i64} {
  func.func @_prep1_body(%arg0: i32, %arg1: i32, %arg2: memref<512x256xf32, #tpu.memory_space<vmem>>, %arg3: memref<512x256xf32, #tpu.memory_space<vmem>>, %arg4: memref<1x512x256xf32, #tpu.memory_space<vmem>>, %arg5: memref<1x512x256xf32, #tpu.memory_space<vmem>>, %arg6: memref<512x256xf32, #tpu.memory_space<vmem>>, %arg7: memref<1x512x1xf32, #tpu.memory_space<vmem>>, %arg8: memref<1x256xf32, #tpu.memory_space<vmem>>, %arg9: memref<1x256xf32, #tpu.memory_space<vmem>>, %arg10: memref<1x256xi32, #tpu.memory_space<vmem>>, %arg11: memref<1x256xi32, #tpu.memory_space<vmem>>, %arg12: memref<1x512x256xi32, #tpu.memory_space<vmem>>, %arg13: memref<1x512x256xf32, #tpu.memory_space<vmem>>, %arg14: memref<1x512x256xf32, #tpu.memory_space<vmem>>, %arg15: memref<1x512x256xf32, #tpu.memory_space<vmem>>, %arg16: memref<1x512x256xf32, #tpu.memory_space<vmem>>) attributes {dimension_semantics = [#tpu.dimension_semantics<arbitrary>, #tpu.dimension_semantics<arbitrary>], iteration_bounds = array<i64: 6, 5>, scalar_prefetch = 0 : i64, scratch_operands = 0 : i64, tpu.core_type = #tpu.core_type<tc>, window_params = [{transform_indices = @transform_0, window_bounds = array<i64: 512, 256>}, {transform_indices = @transform_1, window_bounds = array<i64: 512, 256>}, {transform_indices = @transform_2, window_bounds = array<i64: 1, 512, 256>}, {transform_indices = @transform_3, window_bounds = array<i64: 1, 512, 256>}, {transform_indices = @transform_4, window_bounds = array<i64: 512, 256>}, {transform_indices = @transform_5, window_bounds = array<i64: 1, 512, 1>}, {pipeline_mode = #tpu.pipeline_mode<synchronous>, transform_indices = @transform_6, window_bounds = array<i64: 1, 256>}, {pipeline_mode = #tpu.pipeline_mode<synchronous>, transform_indices = @transform_7, window_bounds = array<i64: 1, 256>}, {pipeline_mode = #tpu.pipeline_mode<synchronous>, transform_indices = @transform_8, window_bounds = array<i64: 1, 256>}, {pipeline_mode = #tpu.pipeline_mode<synchronous>, transform_indices = @transform_9, window_bounds = array<i64: 1, 256>}, {transform_indices = @transform_10, window_bounds = array<i64: 1, 512, 256>}, {transform_indices = @transform_11, window_bounds = array<i64: 1, 512, 256>}, {transform_indices = @transform_12, window_bounds = array<i64: 1, 512, 256>}, {transform_indices = @transform_13, window_bounds = array<i64: 1, 512, 256>}, {transform_indices = @transform_14, window_bounds = array<i64: 1, 512, 256>}]} {
    %get3A = arith.constant 0 : index
    %get3A_0 = arith.constant 0 : index
    %get3A_1 = vector.load %arg8[%get3A, %get3A_0] : memref<1x256xf32, #tpu.memory_space<vmem>>, vector<1x256xf32>
    %get3A_2 = arith.constant 0 : index
    %get3A_3 = arith.constant 0 : index
    %get3A_4 = vector.load %arg9[%get3A_2, %get3A_3] : memref<1x256xf32, #tpu.memory_space<vmem>>, vector<1x256xf32>
    %get3A_5 = arith.constant 0 : index
    %get3A_6 = arith.constant 0 : index
    %get3A_7 = arith.constant 0 : index
    %get3A_8 = vector.load %arg4[%get3A_5, %get3A_6, %get3A_7] : memref<1x512x256xf32, #tpu.memory_space<vmem>>, vector<1x512x256xf32>
    %get3A_9 = vector.shape_cast %get3A_8 : vector<1x512x256xf32> to vector<512x256xf32>
    %get3A_10 = arith.constant 0 : index
    %get3A_11 = arith.constant 0 : index
    %get3A_12 = vector.load %arg2[%get3A_10, %get3A_11] : memref<512x256xf32, #tpu.memory_space<vmem>>, vector<512x256xf32>
    %div3A = vector.broadcast %get3A_1 : vector<1x256xf32> to vector<512x256xf32>
    %div3A_13 = arith.divf %get3A_12, %div3A : vector<512x256xf32>
    %add3A = arith.addf %get3A_9, %div3A_13 : vector<512x256xf32>
    %get3A_14 = arith.constant 0 : index
    %get3A_15 = arith.constant 0 : index
    %get3A_16 = arith.constant 0 : index
    %get3A_17 = vector.load %arg5[%get3A_14, %get3A_15, %get3A_16] : memref<1x512x256xf32, #tpu.memory_space<vmem>>, vector<1x512x256xf32>
    %get3A_18 = vector.shape_cast %get3A_17 : vector<1x512x256xf32> to vector<512x256xf32>
    %get3A_19 = arith.constant 0 : index
    %get3A_20 = arith.constant 0 : index
    %get3A_21 = vector.load %arg3[%get3A_19, %get3A_20] : memref<512x256xf32, #tpu.memory_space<vmem>>, vector<512x256xf32>
    %div3A_22 = vector.broadcast %get3A_4 : vector<1x256xf32> to vector<512x256xf32>
    %div3A_23 = arith.divf %get3A_21, %div3A_22 : vector<512x256xf32>
    %add3A_24 = arith.addf %get3A_18, %div3A_23 : vector<512x256xf32>
    %mul3A = vector.broadcast %get3A_1 : vector<1x256xf32> to vector<512x256xf32>
    %mul3A_25 = arith.mulf %add3A, %mul3A : vector<512x256xf32>
    %sub3A = arith.constant 5.000000e-01 : f32
    %sub3A_26 = vector.broadcast %sub3A : f32 to vector<512x256xf32>
    %sub3A_27 = arith.subf %mul3A_25, %sub3A_26 : vector<512x256xf32>
    %mul3A_28 = vector.broadcast %get3A_4 : vector<1x256xf32> to vector<512x256xf32>
    %mul3A_29 = arith.mulf %add3A_24, %mul3A_28 : vector<512x256xf32>
    %sub3A_30 = arith.constant 5.000000e-01 : f32
    %sub3A_31 = vector.broadcast %sub3A_30 : f32 to vector<512x256xf32>
    %sub3A_32 = arith.subf %mul3A_29, %sub3A_31 : vector<512x256xf32>
    %floor3A = math.floor %sub3A_27 : vector<512x256xf32>
    %floor3A_33 = math.floor %sub3A_32 : vector<512x256xf32>
    %sub3A_34 = arith.subf %sub3A_27, %floor3A : vector<512x256xf32>
    %sub3A_35 = arith.subf %sub3A_32, %floor3A_33 : vector<512x256xf32>
    %ge3A = arith.constant 0.000000e+00 : f32
    %ge3A_36 = vector.broadcast %ge3A : f32 to vector<512x256xf32>
    %ge3A_37 = arith.cmpf oge, %floor3A, %ge3A_36 : vector<512x256xf32>
    %sub3A_38 = arith.constant 1.000000e+00 : f32
    %sub3A_39 = vector.broadcast %sub3A_38 : f32 to vector<1x256xf32>
    %sub3A_40 = arith.subf %get3A_1, %sub3A_39 : vector<1x256xf32>
    %le3A = vector.broadcast %sub3A_40 : vector<1x256xf32> to vector<512x256xf32>
    %le3A_41 = arith.cmpf ole, %floor3A, %le3A : vector<512x256xf32>
    %and3A = arith.andi %ge3A_37, %le3A_41 : vector<512x256xi1>
    %convert_element_type3A = arith.extui %and3A : vector<512x256xi1> to vector<512x256xi32>
    %convert_element_type3A_42 = arith.sitofp %convert_element_type3A : vector<512x256xi32> to vector<512x256xf32>
    %add3A_43 = arith.constant 1.000000e+00 : f32
    %add3A_44 = vector.broadcast %add3A_43 : f32 to vector<512x256xf32>
    %add3A_45 = arith.addf %floor3A, %add3A_44 : vector<512x256xf32>
    %ge3A_46 = arith.constant 0.000000e+00 : f32
    %ge3A_47 = vector.broadcast %ge3A_46 : f32 to vector<512x256xf32>
    %ge3A_48 = arith.cmpf oge, %add3A_45, %ge3A_47 : vector<512x256xf32>
    %add3A_49 = arith.constant 1.000000e+00 : f32
    %add3A_50 = vector.broadcast %add3A_49 : f32 to vector<512x256xf32>
    %add3A_51 = arith.addf %floor3A, %add3A_50 : vector<512x256xf32>
    %sub3A_52 = arith.constant 1.000000e+00 : f32
    %sub3A_53 = vector.broadcast %sub3A_52 : f32 to vector<1x256xf32>
    %sub3A_54 = arith.subf %get3A_1, %sub3A_53 : vector<1x256xf32>
    %le3A_55 = vector.broadcast %sub3A_54 : vector<1x256xf32> to vector<512x256xf32>
    %le3A_56 = arith.cmpf ole, %add3A_51, %le3A_55 : vector<512x256xf32>
    %and3A_57 = arith.andi %ge3A_48, %le3A_56 : vector<512x256xi1>
    %convert_element_type3A_58 = arith.extui %and3A_57 : vector<512x256xi1> to vector<512x256xi32>
    %convert_element_type3A_59 = arith.sitofp %convert_element_type3A_58 : vector<512x256xi32> to vector<512x256xf32>
    %ge3A_60 = arith.constant 0.000000e+00 : f32
    %ge3A_61 = vector.broadcast %ge3A_60 : f32 to vector<512x256xf32>
    %ge3A_62 = arith.cmpf oge, %floor3A_33, %ge3A_61 : vector<512x256xf32>
    %sub3A_63 = arith.constant 1.000000e+00 : f32
    %sub3A_64 = vector.broadcast %sub3A_63 : f32 to vector<1x256xf32>
    %sub3A_65 = arith.subf %get3A_4, %sub3A_64 : vector<1x256xf32>
    %le3A_66 = vector.broadcast %sub3A_65 : vector<1x256xf32> to vector<512x256xf32>
    %le3A_67 = arith.cmpf ole, %floor3A_33, %le3A_66 : vector<512x256xf32>
    %and3A_68 = arith.andi %ge3A_62, %le3A_67 : vector<512x256xi1>
    %convert_element_type3A_69 = arith.extui %and3A_68 : vector<512x256xi1> to vector<512x256xi32>
    %convert_element_type3A_70 = arith.sitofp %convert_element_type3A_69 : vector<512x256xi32> to vector<512x256xf32>
    %add3A_71 = arith.constant 1.000000e+00 : f32
    %add3A_72 = vector.broadcast %add3A_71 : f32 to vector<512x256xf32>
    %add3A_73 = arith.addf %floor3A_33, %add3A_72 : vector<512x256xf32>
    %ge3A_74 = arith.constant 0.000000e+00 : f32
    %ge3A_75 = vector.broadcast %ge3A_74 : f32 to vector<512x256xf32>
    %ge3A_76 = arith.cmpf oge, %add3A_73, %ge3A_75 : vector<512x256xf32>
    %add3A_77 = arith.constant 1.000000e+00 : f32
    %add3A_78 = vector.broadcast %add3A_77 : f32 to vector<512x256xf32>
    %add3A_79 = arith.addf %floor3A_33, %add3A_78 : vector<512x256xf32>
    %sub3A_80 = arith.constant 1.000000e+00 : f32
    %sub3A_81 = vector.broadcast %sub3A_80 : f32 to vector<1x256xf32>
    %sub3A_82 = arith.subf %get3A_4, %sub3A_81 : vector<1x256xf32>
    %le3A_83 = vector.broadcast %sub3A_82 : vector<1x256xf32> to vector<512x256xf32>
    %le3A_84 = arith.cmpf ole, %add3A_79, %le3A_83 : vector<512x256xf32>
    %and3A_85 = arith.andi %ge3A_76, %le3A_84 : vector<512x256xi1>
    %convert_element_type3A_86 = arith.extui %and3A_85 : vector<512x256xi1> to vector<512x256xi32>
    %convert_element_type3A_87 = arith.sitofp %convert_element_type3A_86 : vector<512x256xi32> to vector<512x256xf32>
    %sub3A_88 = arith.constant 1.000000e+00 : f32
    %sub3A_89 = vector.broadcast %sub3A_88 : f32 to vector<1x256xf32>
    %sub3A_90 = arith.subf %get3A_1, %sub3A_89 : vector<1x256xf32>
    %jit3A = arith.constant -1.000000e+00 : f32
    %max3A = vector.broadcast %jit3A : f32 to vector<512x256xf32>
    %max3A_91 = arith.maximumf %max3A, %floor3A : vector<512x256xf32>
    %min3A = vector.broadcast %sub3A_90 : vector<1x256xf32> to vector<512x256xf32>
    %min3A_92 = arith.minimumf %min3A, %max3A_91 : vector<512x256xf32>
    %convert_element_type3A_93 = arith.fptosi %min3A_92 : vector<512x256xf32> to vector<512x256xi32>
    %sub3A_94 = arith.constant 1.000000e+00 : f32
    %sub3A_95 = vector.broadcast %sub3A_94 : f32 to vector<1x256xf32>
    %sub3A_96 = arith.subf %get3A_4, %sub3A_95 : vector<1x256xf32>
    %jit3A_97 = arith.constant -1.000000e+00 : f32
    %max3A_98 = vector.broadcast %jit3A_97 : f32 to vector<512x256xf32>
    %max3A_99 = arith.maximumf %max3A_98, %floor3A_33 : vector<512x256xf32>
    %min3A_100 = vector.broadcast %sub3A_96 : vector<1x256xf32> to vector<512x256xf32>
    %min3A_101 = arith.minimumf %min3A_100, %max3A_99 : vector<512x256xf32>
    %convert_element_type3A_102 = arith.fptosi %min3A_101 : vector<512x256xf32> to vector<512x256xi32>
    %add3A_103 = arith.constant 1 : i32
    %add3A_104 = vector.broadcast %add3A_103 : i32 to vector<512x256xi32>
    %add3A_105 = arith.addi %convert_element_type3A_102, %add3A_104 : vector<512x256xi32>
    %get3A_106 = arith.constant 0 : index
    %get3A_107 = arith.constant 0 : index
    %get3A_108 = vector.load %arg10[%get3A_106, %get3A_107] : memref<1x256xi32, #tpu.memory_space<vmem>>, vector<1x256xi32>
    %mul3A_109 = vector.broadcast %get3A_108 : vector<1x256xi32> to vector<512x256xi32>
    %mul3A_110 = arith.muli %add3A_105, %mul3A_109 : vector<512x256xi32>
    %add3A_111 = arith.constant 1 : i32
    %add3A_112 = vector.broadcast %add3A_111 : i32 to vector<512x256xi32>
    %add3A_113 = arith.addi %convert_element_type3A_93, %add3A_112 : vector<512x256xi32>
    %add3A_114 = arith.addi %mul3A_110, %add3A_113 : vector<512x256xi32>
    %get3A_115 = arith.constant 0 : index
    %get3A_116 = arith.constant 0 : index
    %get3A_117 = vector.load %arg11[%get3A_115, %get3A_116] : memref<1x256xi32, #tpu.memory_space<vmem>>, vector<1x256xi32>
    %add3A_118 = vector.broadcast %get3A_117 : vector<1x256xi32> to vector<512x256xi32>
    %add3A_119 = arith.addi %add3A_114, %add3A_118 : vector<512x256xi32>
    %mul3A_120 = arith.constant 41128 : i32
    %mul3A_121 = arith.muli %arg0, %mul3A_120 : i32
    %add3A_122 = vector.broadcast %mul3A_121 : i32 to vector<512x256xi32>
    %add3A_123 = arith.addi %add3A_119, %add3A_122 : vector<512x256xi32>
    %swap3A = arith.constant 0 : index
    %swap3A_124 = arith.constant 0 : index
    %swap3A_125 = arith.constant 0 : index
    %swap3A_126 = vector.load %arg12[%swap3A, %swap3A_124, %swap3A_125] : memref<1x512x256xi32, #tpu.memory_space<vmem>>, vector<1x512x256xi32>
    %swap3A_127 = vector.shape_cast %swap3A_126 : vector<1x512x256xi32> to vector<512x256xi32>
    %swap3A_128 = vector.shape_cast %add3A_123 : vector<512x256xi32> to vector<1x512x256xi32>
    tpu.vector_store %arg12[%swap3A, %swap3A_124, %swap3A_125], %swap3A_128 {strides = array<i32>} : memref<1x512x256xi32, #tpu.memory_space<vmem>>, vector<1x512x256xi32>,
    %get3A_129 = arith.constant 0 : index
    %get3A_130 = arith.constant 0 : index
    %get3A_131 = vector.load %arg6[%get3A_129, %get3A_130] : memref<512x256xf32, #tpu.memory_space<vmem>>, vector<512x256xf32>
    %get3A_132 = arith.constant 0 : index
    %get3A_133 = arith.constant 0 : index
    %get3A_134 = arith.constant 0 : index
    %get3A_135 = vector.load %arg7[%get3A_132, %get3A_133, %get3A_134] : memref<1x512x1xf32, #tpu.memory_space<vmem>>, vector<1x512x1xf32>
    %get3A_136 = vector.shape_cast %get3A_135 : vector<1x512x1xf32> to vector<512x1xf32>
    %mul3A_137 = vector.broadcast %get3A_136 : vector<512x1xf32> to vector<512x256xf32>
    %mul3A_138 = arith.mulf %get3A_131, %mul3A_137 : vector<512x256xf32>
    %sub3A_139 = arith.constant 1.000000e+00 : f32
    %sub3A_140 = vector.broadcast %sub3A_139 : f32 to vector<512x256xf32>
    %sub3A_141 = arith.subf %sub3A_140, %sub3A_34 : vector<512x256xf32>
    %sub3A_142 = arith.constant 1.000000e+00 : f32
    %sub3A_143 = vector.broadcast %sub3A_142 : f32 to vector<512x256xf32>
    %sub3A_144 = arith.subf %sub3A_143, %sub3A_35 : vector<512x256xf32>
    %mul3A_145 = arith.mulf %sub3A_144, %sub3A_141 : vector<512x256xf32>
    %mul3A_146 = arith.mulf %mul3A_145, %convert_element_type3A_70 : vector<512x256xf32>
    %mul3A_147 = arith.mulf %mul3A_146, %convert_element_type3A_42 : vector<512x256xf32>
    %mul3A_148 = arith.mulf %mul3A_138, %mul3A_147 : vector<512x256xf32>
    %swap3A_149 = arith.constant 0 : index
    %swap3A_150 = arith.constant 0 : index
    %swap3A_151 = arith.constant 0 : index
    %swap3A_152 = vector.load %arg13[%swap3A_149, %swap3A_150, %swap3A_151] : memref<1x512x256xf32, #tpu.memory_space<vmem>>, vector<1x512x256xf32>
    %swap3A_153 = vector.shape_cast %swap3A_152 : vector<1x512x256xf32> to vector<512x256xf32>
    %swap3A_154 = vector.shape_cast %mul3A_148 : vector<512x256xf32> to vector<1x512x256xf32>
    tpu.vector_store %arg13[%swap3A_149, %swap3A_150, %swap3A_151], %swap3A_154 {strides = array<i32>} : memref<1x512x256xf32, #tpu.memory_space<vmem>>, vector<1x512x256xf32>,
    %mul3A_155 = arith.mulf %sub3A_144, %sub3A_34 : vector<512x256xf32>
    %mul3A_156 = arith.mulf %mul3A_155, %convert_element_type3A_70 : vector<512x256xf32>
    %mul3A_157 = arith.mulf %mul3A_156, %convert_element_type3A_59 : vector<512x256xf32>
    %mul3A_158 = arith.mulf %mul3A_138, %mul3A_157 : vector<512x256xf32>
    %swap3A_159 = arith.constant 0 : index
    %swap3A_160 = arith.constant 0 : index
    %swap3A_161 = arith.constant 0 : index
    %swap3A_162 = vector.load %arg14[%swap3A_159, %swap3A_160, %swap3A_161] : memref<1x512x256xf32, #tpu.memory_space<vmem>>, vector<1x512x256xf32>
    %swap3A_163 = vector.shape_cast %swap3A_162 : vector<1x512x256xf32> to vector<512x256xf32>
    %swap3A_164 = vector.shape_cast %mul3A_158 : vector<512x256xf32> to vector<1x512x256xf32>
    tpu.vector_store %arg14[%swap3A_159, %swap3A_160, %swap3A_161], %swap3A_164 {strides = array<i32>} : memref<1x512x256xf32, #tpu.memory_space<vmem>>, vector<1x512x256xf32>,
    %mul3A_165 = arith.mulf %sub3A_35, %sub3A_141 : vector<512x256xf32>
    %mul3A_166 = arith.mulf %mul3A_165, %convert_element_type3A_87 : vector<512x256xf32>
    %mul3A_167 = arith.mulf %mul3A_166, %convert_element_type3A_42 : vector<512x256xf32>
    %mul3A_168 = arith.mulf %mul3A_138, %mul3A_167 : vector<512x256xf32>
    %swap3A_169 = arith.constant 0 : index
    %swap3A_170 = arith.constant 0 : index
    %swap3A_171 = arith.constant 0 : index
    %swap3A_172 = vector.load %arg15[%swap3A_169, %swap3A_170, %swap3A_171] : memref<1x512x256xf32, #tpu.memory_space<vmem>>, vector<1x512x256xf32>
    %swap3A_173 = vector.shape_cast %swap3A_172 : vector<1x512x256xf32> to vector<512x256xf32>
    %swap3A_174 = vector.shape_cast %mul3A_168 : vector<512x256xf32> to vector<1x512x256xf32>
    tpu.vector_store %arg15[%swap3A_169, %swap3A_170, %swap3A_171], %swap3A_174 {strides = array<i32>} : memref<1x512x256xf32, #tpu.memory_space<vmem>>, vector<1x512x256xf32>,
    %mul3A_175 = arith.mulf %sub3A_35, %sub3A_34 : vector<512x256xf32>
    %mul3A_176 = arith.mulf %mul3A_175, %convert_element_type3A_87 : vector<512x256xf32>
    %mul3A_177 = arith.mulf %mul3A_176, %convert_element_type3A_59 : vector<512x256xf32>
    %mul3A_178 = arith.mulf %mul3A_138, %mul3A_177 : vector<512x256xf32>
    %swap3A_179 = arith.constant 0 : index
    %swap3A_180 = arith.constant 0 : index
    %swap3A_181 = arith.constant 0 : index
    %swap3A_182 = vector.load %arg16[%swap3A_179, %swap3A_180, %swap3A_181] : memref<1x512x256xf32, #tpu.memory_space<vmem>>, vector<1x512x256xf32>
    %swap3A_183 = vector.shape_cast %swap3A_182 : vector<1x512x256xf32> to vector<512x256xf32>
    %swap3A_184 = vector.shape_cast %mul3A_178 : vector<512x256xf32> to vector<1x512x256xf32>
    tpu.vector_store %arg16[%swap3A_179, %swap3A_180, %swap3A_181], %swap3A_184 {strides = array<i32>} : memref<1x512x256xf32, #tpu.memory_space<vmem>>, vector<1x512x256xf32>,
    return
  }
  func.func @transform_0(%arg0: i32, %arg1: i32) -> (i32, i32) {
    %c0_i32 = arith.constant 0 : i32
    %c0_i32_0 = arith.constant 0 : i32
    return %arg1, %c0_i32 : i32, i32
  }
  func.func @transform_1(%arg0: i32, %arg1: i32) -> (i32, i32) {
    %c0_i32 = arith.constant 0 : i32
    %c0_i32_0 = arith.constant 0 : i32
    return %arg1, %c0_i32 : i32, i32
  }
  func.func @transform_2(%arg0: i32, %arg1: i32) -> (i32, i32, i32) {
    %c0_i32 = arith.constant 0 : i32
    %c0_i32_0 = arith.constant 0 : i32
    return %arg0, %arg1, %c0_i32 : i32, i32, i32
  }
  func.func @transform_3(%arg0: i32, %arg1: i32) -> (i32, i32, i32) {
    %c0_i32 = arith.constant 0 : i32
    %c0_i32_0 = arith.constant 0 : i32
    return %arg0, %arg1, %c0_i32 : i32, i32, i32
  }
  func.func @transform_4(%arg0: i32, %arg1: i32) -> (i32, i32) {
    %c0_i32 = arith.constant 0 : i32
    %c0_i32_0 = arith.constant 0 : i32
    return %arg1, %c0_i32 : i32, i32
  }
  func.func @transform_5(%arg0: i32, %arg1: i32) -> (i32, i32, i32) {
    %c0_i32 = arith.constant 0 : i32
    %c0_i32_0 = arith.constant 0 : i32
    return %arg0, %arg1, %c0_i32 : i32, i32, i32
  }
  func.func @transform_6(%arg0: i32, %arg1: i32) -> (i32, i32) {
    %c0_i32 = arith.constant 0 : i32
    %c0_i32_0 = arith.constant 0 : i32
    %c0_i32_1 = arith.constant 0 : i32
    return %c0_i32, %c0_i32_0 : i32, i32
  }
  func.func @transform_7(%arg0: i32, %arg1: i32) -> (i32, i32) {
    %c0_i32 = arith.constant 0 : i32
    %c0_i32_0 = arith.constant 0 : i32
    %c0_i32_1 = arith.constant 0 : i32
    return %c0_i32, %c0_i32_0 : i32, i32
  }
  func.func @transform_8(%arg0: i32, %arg1: i32) -> (i32, i32) {
    %c0_i32 = arith.constant 0 : i32
    %c0_i32_0 = arith.constant 0 : i32
    %c0_i32_1 = arith.constant 0 : i32
    return %c0_i32, %c0_i32_0 : i32, i32
  }
  func.func @transform_9(%arg0: i32, %arg1: i32) -> (i32, i32) {
    %c0_i32 = arith.constant 0 : i32
    %c0_i32_0 = arith.constant 0 : i32
    %c0_i32_1 = arith.constant 0 : i32
    return %c0_i32, %c0_i32_0 : i32, i32
  }
  func.func @transform_10(%arg0: i32, %arg1: i32) -> (i32, i32, i32) {
    %c0_i32 = arith.constant 0 : i32
    %c0_i32_0 = arith.constant 0 : i32
    return %arg0, %arg1, %c0_i32 : i32, i32, i32
  }
  func.func @transform_11(%arg0: i32, %arg1: i32) -> (i32, i32, i32) {
    %c0_i32 = arith.constant 0 : i32
    %c0_i32_0 = arith.constant 0 : i32
    return %arg0, %arg1, %c0_i32 : i32, i32, i32
  }
  func.func @transform_12(%arg0: i32, %arg1: i32) -> (i32, i32, i32) {
    %c0_i32 = arith.constant 0 : i32
    %c0_i32_0 = arith.constant 0 : i32
    return %arg0, %arg1, %c0_i32 : i32, i32, i32
  }
  func.func @transform_13(%arg0: i32, %arg1: i32) -> (i32, i32, i32) {
    %c0_i32 = arith.constant 0 : i32
    %c0_i32_0 = arith.constant 0 : i32
    return %arg0, %arg1, %c0_i32 : i32, i32, i32
  }
  func.func @transform_14(%arg0: i32, %arg1: i32) -> (i32, i32, i32) {
    %c0_i32 = arith.constant 0 : i32
    %c0_i32_0 = arith.constant 0 : i32
    return %arg0, %arg1, %c0_i32 : i32, i32, i32
  }
}

module attributes {stable_mosaic.version = 14 : i64} {
  func.func @_blend_body(%arg0: i32, %arg1: i32, %arg2: memref<1x16x256x128xf32, #tpu.memory_space<vmem>>, %arg3: memref<1x4x4096xf32, #tpu.memory_space<vmem>>, %arg4: memref<4x128xf32, #tpu.memory_space<vmem>>, %arg5: memref<128x32xf32, #tpu.memory_space<vmem>>) attributes {dimension_semantics = [#tpu.dimension_semantics<arbitrary>, #tpu.dimension_semantics<arbitrary>], iteration_bounds = array<i64: 160, 6>, scalar_prefetch = 0 : i64, scratch_operands = 0 : i64, tpu.core_type = #tpu.core_type<tc>, window_params = [{transform_indices = @transform_0, window_bounds = array<i64: 1, 16, 256, 128>}, {transform_indices = @transform_1, window_bounds = array<i64: 1, 4, 4096>}, {pipeline_mode = #tpu.pipeline_mode<synchronous>, transform_indices = @transform_2, window_bounds = array<i64: 4, 128>}, {transform_indices = @transform_3, window_bounds = array<i64: 128, 32>}]} {
    %get3A = arith.constant 0 : index
    %get3A_0 = arith.constant 0 : index
    %get3A_1 = arith.constant 0 : index
    %get3A_2 = arith.constant 0 : index
    %get3A_3 = vector.load %arg2[%get3A, %get3A_0, %get3A_1, %get3A_2] : memref<1x16x256x128xf32, #tpu.memory_space<vmem>>, vector<1x16x256x128xf32>
    %get3A_4 = vector.shape_cast %get3A_3 : vector<1x16x256x128xf32> to vector<16x256x128xf32>
    %reshape3A = vector.shape_cast %get3A_4 : vector<16x256x128xf32> to vector<4096x128xf32>
    %get3A_5 = arith.constant 0 : index
    %get3A_6 = arith.constant 0 : index
    %get3A_7 = arith.constant 0 : index
    %get3A_8 = vector.load %arg3[%get3A_5, %get3A_6, %get3A_7] : memref<1x4x4096xf32, #tpu.memory_space<vmem>>, vector<1x4x4096xf32>
    %get3A_9 = vector.shape_cast %get3A_8 : vector<1x4x4096xf32> to vector<4x4096xf32>
    %get3A_10 = arith.constant 0 : index
    %get3A_11 = arith.constant 0 : index
    %get3A_12 = vector.load %arg4[%get3A_10, %get3A_11] : memref<4x128xf32, #tpu.memory_space<vmem>>, vector<4x128xf32>
    %dot_general3A = arith.constant dense<0.000000e+00> : vector<4096x128xf32>
    %dot_general3A_13 = tpu.matmul %get3A_9, %get3A_12, %dot_general3A {dimension_numbers = #tpu.dot_dimension_numbers<[0], [0], [1], [1], [0, 1, 1, 1], [], []>, transpose_lhs_hint = false} : vector<4x4096xf32>, vector<4x128xf32>, vector<4096x128xf32> -> vector<4096x128xf32>
    %mul3A = arith.mulf %reshape3A, %dot_general3A_13 : vector<4096x128xf32>
    %reshape3A_14 = vector.shape_cast %mul3A : vector<4096x128xf32> to vector<128x32x128xf32>
    %slice3A = vector.extract_strided_slice %reshape3A_14 {offsets = [0, 0, 0], sizes = [128, 8, 128], strides = [1, 1, 1]} : vector<128x32x128xf32> to vector<128x8x128xf32>
    %slice3A_15 = vector.extract_strided_slice %reshape3A_14 {offsets = [0, 8, 0], sizes = [128, 8, 128], strides = [1, 1, 1]} : vector<128x32x128xf32> to vector<128x8x128xf32>
    %add3A = arith.addf %slice3A, %slice3A_15 : vector<128x8x128xf32>
    %slice3A_16 = vector.extract_strided_slice %reshape3A_14 {offsets = [0, 16, 0], sizes = [128, 8, 128], strides = [1, 1, 1]} : vector<128x32x128xf32> to vector<128x8x128xf32>
    %add3A_17 = arith.addf %add3A, %slice3A_16 : vector<128x8x128xf32>
    %slice3A_18 = vector.extract_strided_slice %reshape3A_14 {offsets = [0, 24, 0], sizes = [128, 8, 128], strides = [1, 1, 1]} : vector<128x32x128xf32> to vector<128x8x128xf32>
    %add3A_19 = arith.addf %add3A_17, %slice3A_18 : vector<128x8x128xf32>
    %reduce_sum3A = arith.constant dense<0.000000e+00> : vector<128x128xf32>
    %reduce_sum3A_20 = vector.multi_reduction <add>, %add3A_19, %reduce_sum3A [1] : vector<128x8x128xf32> to vector<128x128xf32>
    %slice3A_21 = vector.extract_strided_slice %reduce_sum3A_20 {offsets = [0, 0], sizes = [128, 32], strides = [1, 1]} : vector<128x128xf32> to vector<128x32xf32>
    %slice3A_22 = vector.extract_strided_slice %reduce_sum3A_20 {offsets = [0, 32], sizes = [128, 32], strides = [1, 1]} : vector<128x128xf32> to vector<128x32xf32>
    %add3A_23 = arith.addf %slice3A_21, %slice3A_22 : vector<128x32xf32>
    %slice3A_24 = vector.extract_strided_slice %reduce_sum3A_20 {offsets = [0, 64], sizes = [128, 32], strides = [1, 1]} : vector<128x128xf32> to vector<128x32xf32>
    %add3A_25 = arith.addf %add3A_23, %slice3A_24 : vector<128x32xf32>
    %slice3A_26 = vector.extract_strided_slice %reduce_sum3A_20 {offsets = [0, 96], sizes = [128, 32], strides = [1, 1]} : vector<128x128xf32> to vector<128x32xf32>
    %add3A_27 = arith.addf %add3A_25, %slice3A_26 : vector<128x32xf32>
    %eq3A = arith.constant 0 : i32
    %eq3A_28 = arith.cmpi eq, %arg1, %eq3A : i32
    %convert_element_type3A = arith.extui %eq3A_28 : i1 to i32
    %cond3A = arith.constant 0 : i32
    %cond3A_29 = arith.cmpi ne, %convert_element_type3A, %cond3A : i32
    scf.if %cond3A_29 {
      %swap3A = arith.constant 0 : index
      %swap3A_34 = arith.constant 0 : index
      %swap3A_35 = vector.load %arg5[%swap3A, %swap3A_34] : memref<128x32xf32, #tpu.memory_space<vmem>>, vector<128x32xf32>
      tpu.vector_store %arg5[%swap3A, %swap3A_34], %add3A_27 {strides = array<i32>} : memref<128x32xf32, #tpu.memory_space<vmem>>, vector<128x32xf32>,
    } else {
    }
    %ne3A = arith.constant 0 : i32
    %ne3A_30 = arith.cmpi ne, %arg1, %ne3A : i32
    %convert_element_type3A_31 = arith.extui %ne3A_30 : i1 to i32
    %cond3A_32 = arith.constant 0 : i32
    %cond3A_33 = arith.cmpi ne, %convert_element_type3A_31, %cond3A_32 : i32
    scf.if %cond3A_33 {
      %get3A_34 = arith.constant 0 : index
      %get3A_35 = arith.constant 0 : index
      %get3A_36 = vector.load %arg5[%get3A_34, %get3A_35] : memref<128x32xf32, #tpu.memory_space<vmem>>, vector<128x32xf32>
      %add3A_37 = arith.addf %get3A_36, %add3A_27 : vector<128x32xf32>
      %swap3A = arith.constant 0 : index
      %swap3A_38 = arith.constant 0 : index
      %swap3A_39 = vector.load %arg5[%swap3A, %swap3A_38] : memref<128x32xf32, #tpu.memory_space<vmem>>, vector<128x32xf32>
      tpu.vector_store %arg5[%swap3A, %swap3A_38], %add3A_37 {strides = array<i32>} : memref<128x32xf32, #tpu.memory_space<vmem>>, vector<128x32xf32>,
    } else {
    }
    return
  }
  func.func @transform_0(%arg0: i32, %arg1: i32) -> (i32, i32, i32, i32) {
    %c0_i32 = arith.constant 0 : i32
    %c0_i32_0 = arith.constant 0 : i32
    %c0_i32_1 = arith.constant 0 : i32
    return %arg1, %arg0, %c0_i32, %c0_i32_0 : i32, i32, i32, i32
  }
  func.func @transform_1(%arg0: i32, %arg1: i32) -> (i32, i32, i32) {
    %c0_i32 = arith.constant 0 : i32
    %c0_i32_0 = arith.constant 0 : i32
    return %arg1, %c0_i32, %arg0 : i32, i32, i32
  }
  func.func @transform_2(%arg0: i32, %arg1: i32) -> (i32, i32) {
    %c0_i32 = arith.constant 0 : i32
    %c0_i32_0 = arith.constant 0 : i32
    %c0_i32_1 = arith.constant 0 : i32
    return %c0_i32, %c0_i32_0 : i32, i32
  }
  func.func @transform_3(%arg0: i32, %arg1: i32) -> (i32, i32) {
    %c0_i32 = arith.constant 0 : i32
    %c0_i32_0 = arith.constant 0 : i32
    return %arg0, %c0_i32 : i32, i32
  }
}

module attributes {stable_mosaic.version = 14 : i64} {
  func.func @_outproj_body(%arg0: memref<2500x256xf32, #tpu.memory_space<vmem>>, %arg1: memref<256x256xf32, #tpu.memory_space<vmem>>, %arg2: memref<1x256xf32, #tpu.memory_space<vmem>>, %arg3: memref<2500x256xf32, #tpu.memory_space<vmem>>, %arg4: memref<2500x256xf32, #tpu.memory_space<vmem>>) attributes {dimension_semantics = [], scalar_prefetch = 0 : i64, scratch_operands = 0 : i64, tpu.core_type = #tpu.core_type<tc>} {
    %get3A = arith.constant 0 : index
    %get3A_0 = arith.constant 0 : index
    %get3A_1 = vector.load %arg0[%get3A, %get3A_0] : memref<2500x256xf32, #tpu.memory_space<vmem>>, vector<2500x256xf32>
    %get3A_2 = arith.constant 0 : index
    %get3A_3 = arith.constant 0 : index
    %get3A_4 = vector.load %arg1[%get3A_2, %get3A_3] : memref<256x256xf32, #tpu.memory_space<vmem>>, vector<256x256xf32>
    %dot_general3A = arith.constant dense<0.000000e+00> : vector<2500x256xf32>
    %dot_general3A_5 = tpu.matmul %get3A_1, %get3A_4, %dot_general3A {dimension_numbers = #tpu.dot_dimension_numbers<[1], [0], [0], [1], [0, 0, 1, 1], [], []>, transpose_lhs_hint = false} : vector<2500x256xf32>, vector<256x256xf32>, vector<2500x256xf32> -> vector<2500x256xf32>
    %get3A_6 = arith.constant 0 : index
    %get3A_7 = arith.constant 0 : index
    %get3A_8 = vector.load %arg2[%get3A_6, %get3A_7] : memref<1x256xf32, #tpu.memory_space<vmem>>, vector<1x256xf32>
    %add3A = vector.broadcast %get3A_8 : vector<1x256xf32> to vector<2500x256xf32>
    %add3A_9 = arith.addf %dot_general3A_5, %add3A : vector<2500x256xf32>
    %get3A_10 = arith.constant 0 : index
    %get3A_11 = arith.constant 0 : index
    %get3A_12 = vector.load %arg3[%get3A_10, %get3A_11] : memref<2500x256xf32, #tpu.memory_space<vmem>>, vector<2500x256xf32>
    %add3A_13 = arith.addf %add3A_9, %get3A_12 : vector<2500x256xf32>
    %swap3A = arith.constant 0 : index
    %swap3A_14 = arith.constant 0 : index
    %swap3A_15 = vector.load %arg4[%swap3A, %swap3A_14] : memref<2500x256xf32, #tpu.memory_space<vmem>>, vector<2500x256xf32>
    tpu.vector_store %arg4[%swap3A, %swap3A_14], %add3A_13 {strides = array<i32>} : memref<2500x256xf32, #tpu.memory_space<vmem>>, vector<2500x256xf32>,
    return
  }
}

</mosaic_0001>

<sc_bundles>
// kernel: kernel.9.cloned.1.call-start
scs
__scs_entry_jumppad:
0x0: {  	(pc) =	sbr.rel $0x88, $3  }
0x1: {  	(tag) =	ssettag $0x0;
	lr =	simm.s32 $0x1  }
0x2: {  	[smem:$0x3F94] =	sst lr;
	_ =	strace $0xD0000000  }
0x3: {  	_ = 	snop  }
0x4: {  	_ = 	snop  }
0x5: {  	_ = 	snop  }
0x6: {  	_ = 	snop  }
0x7: {  	_ = 	snop  }
__scs_overlays_trampoline_lowered:
0x8: {  	[smem:$0x3FA3] =	sst s0  }
0x9: {  	[smem:$0x3FA4] =	sst s1  }
0xa: {  	[smem:$0x3FA5] =	sst s2  }
0xb: {  	[smem:$0x3FA6] =	sst s3  }
0xc: {  	[smem:$0x3FA7] =	sst s4  }
0xd: {  	[smem:$0x3FA8] =	sst s5  }
0xe: {  	[smem:$0x3FA9] =	sst s6  }
0xf: {  	[smem:$0x3FAA] =	sst s7  }
0x10: {  	[smem:$0x3FAB] =	sst s8  }
0x11: {  	[smem:$0x3FAC] =	sst s9;
	s0 =	simm.s32 @!p0 $0x0  }
0x12: {  	s1 =	sld [smem:$0x3F92];
	s0 =	simm.s32 @p0 $0x1  }
0x13: {  	[smem:$0x3FAD] =	sst s0;
	s0 =	simm.s32 @!p1 $0x0  }
0x14: {  	s2 =	sld [smem:$0x3F91];
	s0 =	simm.s32 @p1 $0x1  }
0x15: {  	[smem:$0x3FAE] =	sst s0;
	s0 =	simm.s32 @!p2 $0x0  }
0x16: {  	s3 =	sld [smem:$0x3FDB];
	s0 =	simm.s32 @p2 $0x1  }
0x17: {  	s4 =	simm.s32 $0x1BF5;
	[smem:$0x3FB0] =	sst s0  }
0x18: {  	s0 =	sld [smem:$0x3F93];
	_ =	swait.ge [sflag:s4], $0x0  }
0x19: {  	s7 =	sld [smem:$0x3F94]  }
0x1a: {  	s8 =	sadd.s32 $0xFFFFE003, lr  }
0x1b: {  	s9 =	sadd.s32 $0xFFFFFEF7, lr;
	s5 =	simm.s32 $0xFFFFFFFF;
	p2 =	slt.u32 s8, $0xFFFFF086  }
0x1c: {  	p1 =	slt.u32 s9, $0xF7A;
	s5 =	simm.s32 @!p2 $0x0  }
0x1d: {  	s5 =	simm.s32 @p1 $0x1;
	p0 =	seq.s32 s7, s2  }
0x1e: {  	s7 =	smul.u32 @!p0 $0xF7A, s2;
	p2 =	seq.s32 @!p0 s5, $0x0  }
0x1f: {  	s9 =	smul.u32 $0xF7A, s1;
	s8 =	simm.s32 @!p0 $0x1BF5;
	p2 =	por !p2, p0  }
0x20: {  	[sflag:s8] =	ssyncset.s32 @!p0 $0xFFFFF086;
	s6 =	sadd.s32 @!p0 s3, s7;
	s7 =	simm.s32 @!p0 $0x108  }
0x21: {  	s3 =	sadd.s32 s3, s9;
	s6 =	sadd.s32 @!p0 $0x88, s6;
	s7 =	simm.s32 @p2 $0x1082  }
0x22: {  	[simem:s7], [sflag:s8] =	dma.local @!p0 [hbm:s6], $0xF7A  }
0x23: {  	s9 =	sor.u32 $0xD0000000, s2;
	s6 =	simm.s32 $0x108;
	_ =	swait.ge @!p0 [sflag:s8], $0x0  }
0x24: {  	s3 =	sadd.s32 $0x88, s3;
	s6 =	simm.s32 @!p1 $0x1082;
	[sflag:s4] =	ssyncset.s32 $0xFFFFF086  }
0x25: {  	[simem:s6], [sflag:s4] =	dma.local [hbm:s3], $0xF7A  }
0x26: {  	[smem:$0x3F94] =	sst s1;
	(tag) =	ssettag s2;
	_ =	strace s9  }
0x27: {  	s1 =	sld [smem:$0x3FA4]  }
0x28: {  	s2 =	sld [smem:$0x3FA5]  }
0x29: {  	s4 =	sld [smem:$0x3FA7]  }
0x2a: {  	p0 =	seq.s32 s5, $0x0;
	s5 =	sld [smem:$0x3FA8]  }
0x2b: {  	s6 =	sld [smem:$0x3FA9]  }
0x2c: {  	s7 =	sld [smem:$0x3FAA]  }
0x2d: {  	s3 =	simm.s32 $0x108;
	s8 =	sld [smem:$0x3FAB]  }
0x2e: {  	s3 =	simm.s32 @!p0 $0x1082;
	s9 =	sld [smem:$0x3FAC]  }
0x2f: {  	lr =	sadd.s32 s0, s3;
	s0 =	sld [smem:$0x3FA3]  }
0x30: {  	s3 =	sld [smem:$0x3FA6]  }
0x31: {  	[smem:$0x3FAF] =	sst s10  }
0x32: {  	s10 =	sld [smem:$0x3FAD];
	_ =	sdelay $0x3  }
0x33: {  	p0 =	seq.s32 s10, $0x1;
	s10 =	sld [smem:$0x3FAF];
	_ =	sdelay $0x3  }
0x34: {  	[smem:$0x3FAF] =	sst s10  }
0x35: {  	s10 =	sld [smem:$0x3FAE];
	_ =	sdelay $0x3  }
0x36: {  	p1 =	seq.s32 s10, $0x1;
	s10 =	sld [smem:$0x3FAF];
	_ =	sdelay $0x3  }
0x37: {  	[smem:$0x3FAF] =	sst s10  }
0x38: {  	s10 =	sld [smem:$0x3FB0]  }
0x39: {  	_ = 	snop;
	(pc) =	sbr.ind lr, $3  }
0x3a: {  	_ = 	snop  }
0x3b: {  	_ = 	snop  }
0x3c: {  	p2 =	seq.s32 s10, $0x1;
	s10 =	sld [smem:$0x3FAF]  }
0x3d: {  	_ =	shalt  }
0x3e: {  	_ =	shalt  }
0x3f: {  	_ =	shalt  }
0x40: {  	_ =	shalt  }
0x41: {  	_ =	shalt  }
0x42: {  	_ =	shalt  }
0x43: {  	_ =	shalt  }
0x44: {  	_ =	shalt  }
0x45: {  	_ =	shalt  }
0x46: {  	_ =	shalt  }
0x47: {  	_ =	shalt  }
0x48: {  	_ =	shalt  }
0x49: {  	_ =	shalt  }
0x4a: {  	_ =	shalt  }
0x4b: {  	_ =	shalt  }
0x4c: {  	_ =	shalt  }
0x4d: {  	_ =	shalt  }
0x4e: {  	_ =	shalt  }
0x4f: {  	_ =	shalt  }
0x50: {  	_ =	shalt  }
0x51: {  	_ =	shalt  }
0x52: {  	_ =	shalt  }
0x53: {  	_ =	shalt  }
0x54: {  	_ =	shalt  }
0x55: {  	_ =	shalt  }
0x56: {  	_ =	shalt  }
0x57: {  	_ =	shalt  }
0x58: {  	_ =	shalt  }
0x59: {  	_ =	shalt  }
0x5a: {  	_ =	shalt  }
0x5b: {  	_ =	shalt  }
0x5c: {  	_ =	shalt  }
0x5d: {  	_ =	shalt  }
0x5e: {  	_ =	shalt  }
0x5f: {  	_ =	shalt  }
0x60: {  	_ =	shalt  }
0x61: {  	_ =	shalt  }
0x62: {  	_ =	shalt  }
0x63: {  	_ =	shalt  }
0x64: {  	_ =	shalt  }
0x65: {  	_ =	shalt  }
0x66: {  	_ =	shalt  }
0x67: {  	_ =	shalt  }
0x68: {  	_ =	shalt  }
0x69: {  	_ =	shalt  }
0x6a: {  	_ =	shalt  }
0x6b: {  	_ =	shalt  }
0x6c: {  	_ =	shalt  }
0x6d: {  	_ =	shalt  }
0x6e: {  	_ =	shalt  }
0x6f: {  	_ =	shalt  }
0x70: {  	_ =	shalt  }
0x71: {  	_ =	shalt  }
0x72: {  	_ =	shalt  }
0x73: {  	_ =	shalt  }
0x74: {  	_ =	shalt  }
0x75: {  	_ =	shalt  }
0x76: {  	_ =	shalt  }
0x77: {  	_ =	shalt  }
0x78: {  	_ =	shalt  }
0x79: {  	_ =	shalt  }
0x7a: {  	_ =	shalt  }
0x7b: {  	_ =	shalt  }
0x7c: {  	_ =	shalt  }
0x7d: {  	_ =	shalt  }
0x7e: {  	_ =	shalt  }
0x7f: {  	_ =	shalt  }
0x80: {  	_ =	shalt  }
0x81: {  	_ =	shalt  }
0x82: {  	_ =	shalt  }
0x83: {  	_ =	shalt  }
0x84: {  	_ =	shalt  }
0x85: {  	_ =	shalt  }
0x86: {  	_ =	shalt  }
0x87: {  	_ =	shalt  }
.Lfunc_end0:
.L_simem_size_0:
called_computation.2_lowered:
.L_overlay_start_0:
0x88: {  	s2 =	sld [smem:$0x3FD9]  }
0x89: {  	s3 =	sld [smem:$0x3FFE];
	_ =	sdelay $0x1  }
0x8a: {  	s1 =	srdreg.scid  }
0x8b: {  	s0 =	sand.u32 $0x1, s1  }
0x8c: {  	s16 =	sshll.u32 s0, $0xA;
	s2 =	sadd.s32 s3, s2  }
0x8d: {  	s2 =	sadd.s32 s2, s16  }
0x8e: {  	[smem:$0x3FBB] =	sst s2  }
0x8f: {  	_ = 	snop  }
0x90: {  	(tm) =	ssettm $0x1  }
0x91: {  	s17 =	sld [smem:$0x3FFB];
	_ =	sdelay $0x3  }
0x92: {  	_ =	strace s17  }
0x93: {  	s2 =	sld [smem:$0x3FFC];
	_ =	sdelay $0x3  }
0x94: {  	_ =	strace s2  }
0x95: {  	s2 =	sld [smem:$0x3FFD];
	_ =	sdelay $0x3  }
0x96: {  	_ =	strace s2  }
0x97: {  	_ =	strace $0x8FFFFFFF  }
0x98: {  	s18 =	sld [smem:$0x3FDB];
	_ =	sdelay $0x1  }
0x99: {  	s19 =	simm.s32 $_scs_section_size  }
0x9a: {  	s4 =	simm.s32 $_size__tile_overlayer_lowered;
	s5 =	simm.s32 $_tile_overlayer_lowered  }
0x9b: {  	s22 =	simm.s32 $0x1BFF;
	s21 =	sshll.u32 s5, $0x1;
	s2 =	sadd.s32 s19, s18  }
0x9c: {  	s6 =	simm.s32 $0x0;
	s20 =	sshll.u32 s4, $0x1;
	s4 =	sadd.s32 s21, s2  }
0x9d: {  	[timem:s6], [sflag:s22] =	dma.local [hbm:s4], s20  }
0x9e: {  	_ =	swait.ge [sflag:s22], s20  }
0x9f: {  	s3 =	ssub.s32 $0x0, s20;
	[sflag:s22] =	ssyncset.done $0x0  }
0xa0: {  	[sflag:s22] =	ssyncadd.s32 s3;
	_ =	sdelay $0x1  }
0xa1: {  	s23 =	simm.s32 $0x1B8B  }
0xa2: {  	_ =	swait.ge [sflag:s23], $0x1  }
0xa3: {  	[sflag:s23] =	ssyncset.done $0x0  }
0xa4: {  	s25 =	simm.s32 $0x1B8E;
	s24 =	sld [smem:$0x3FFE];
	[sflag:s23] =	ssyncadd.s32 $0xFFFFFFFF  }
0xa5: {  	s26 =	simm.s32 $execute0_lowered;
	[smem:$0x3FD2] =	sst s25  }
0xa6: {  	s4 =	sshll.u32 s26, $0x1;
	_ =	strace $0x8000004C;
	[dreg:$0x1] =	wrdreg $0xFFFFFFFF  }
0xa7: {  	s28 =	simm.s32 $_size_execute0_lowered;
	s2 =	sadd.s32 s2, s4;
	[dreg:$0x0] =	wrdreg $0x0  }
0xa8: {  	s4 =	sshll.u32 s28, $0x1;
	[dreg:$0x2] =	wrdreg s2  }
0xa9: {  	[dreg:$0x3] =	wrdreg s4  }
0xaa: {  	[dreg:$0x4] =	wrdreg $0xC0  }
0xab: {  	_ =	task [dreg:s6], $0x5FFFF  }
0xac: {  	[dreg:$0x1] =	wrdreg $0xFFFFFFFF  }
0xad: {  	[dreg:$0x0] =	wrdreg $0x60  }
0xae: {  	[dreg:$0x2] =	wrdreg s24  }
0xaf: {  	[dreg:$0x3] =	wrdreg $0x9  }
0xb0: {  	_ =	task.clear_ibuf [dreg:s6], $0x4FFFF;
	_ =	strace $0x9000004C  }
0xb1: {  	s29 =	simm.s32 $0x9;
	_ =	strace $0x80000055  }
0xb2: {  	_ =	swait.ge [sflag:s29], $0x1  }
0xb3: {  	[sflag:s29] =	ssyncadd.s32 $0xFFFFFFFF  }
0xb4: {  	_ =	strace $0x90000055  }
0xb5: {  	_ =	sfence  }
0xb6: {  	s30 =	sld [smem:$0x0];
	_ =	sdelay $0x2  }
0xb7: {  	s31 =	sshll.u32 s1, $0xD;
	s1 =	sshrl.u32 s1, $0x2  }
0xb8: {  	s3 =	sand.u32 $0x4000, s31;
	s1 =	sadd.s32 s1, s30  }
0xb9: {  	s0 =	sor.u32 s3, s0;
	s1 =	sshll.u32 s1, $0x11  }
0xba: {  	s0 =	sor.u32 s1, s0  }
0xbb: {  	s0 =	sadd.s32 $0x8F2B, s0  }
0xbc: {  	[sflag:s0] =	ssyncadd.remote.s32 $0x1  }
0xbd: {  	_ =	sfence.sel $0xFFFF  }
0xbe: {  	[dreg:$0x0] =	wrdreg $0xFFFFFFFF;
	(pc) =	sbr.abs _section_cstart, $3  }
0xbf: {  	[dreg:$0x1] =	wrdreg $0xFFFFFFFF  }
0xc0: {  	_ =	task.clear_ibuf [dreg:s6], $0x2FFFF;
	_ =	strace $0x9FFFFFFF  }
0xc1: {  	(tm) =	ssettm $0x7FFFFFFF  }
tec
execute0_lowered:
.L_overlay_start_1:
0x0: {  	(tag) =	ssettag $0x1  }
0x1: {  	s3 =	rddreg [dreg:$0x0]  }
0x2: {  	s0 =	rddreg [dreg:$0x1];
	s1 =	simm.s32 $0x0  }
0x3: {  	s2 =	srdreg.scid;
	s8 =	simm.s32 $0x80;
	s9 =	simm.s32 $0x0  }
0x4: {  	[smem:$0x7FF] =	sst s1;
	s4 =	sand.u32 $0x1, s2;
	s5 =	sadd.s32 $0x3DDA00, s3  }
0x5: {  	s2 =	stileid.u32;
	s30 =	sadd.s32 $0xB2F200, s3;
	s3 =	sadd.s32 $0x85F200, s3  }
0x6: {  	_ =	strace $0x8000004D;
	s6 =	sshll.u32 s4, $0x4;
	[dreg:$0x2] =	wrdreg s5  }
0x7: {  	s4 =	ssub.s32 $0x2, s4;
	[dreg:$0x4] =	wrdreg s30;
	s29 =	sor.u32 s2, s6  }
0x8: {  	[dreg:$0x3] =	wrdreg s8;
	s31 =	sshrl.u32 s4, $0x1;
	s7 =	smul.u32 $0x3C00, s29  }
0x9: {  	s8 =	simm.s32 $0x5;
	s6 =	ssub.s32 s4, s31;
	s4 =	smul.u32 $0x3C0, s29  }
0xa: {  	s6 =	smax.u32 s6, $0x1;
	s5 =	sadd.s32 s3, s7;
	s7 =	simm.s32 $0x1  }
.LBB2_1:
0xb: {  	_ =	strace $0x8000004E;
	s10 =	simm.s32 $0x1;
	p0 =	por $0x0, $0x0  }
0xc: {  	[tilespmem:s1], [sflag:$0x1] =	stream.linear.gather [hbm4b:s5+s1], $0x80, $0x200038;
	[tilespmem:$0x8100] =	vst v63  }
0xd: {  	s10 =	simm.s32 @p0 $0x0  }
0xe: {  	p4 =	por $0x1, $0x1;
	s19 =	sand.u32 $0x1, s1;
	p1 =	sne.s32 s10, $0x0  }
0xf: {  	p2 =	por $0x1, $0x1;
	s17 =	simm.s32 $0x3BE;
	p0 =	por !p4, !p1  }
0x10: {  	s15 =	simm.s32 $0x0;
	p5 =	por $0x0, $0x0;
	p0 =	por !p0, !p0  }
0x11: {  	s22 =	sadd.s32 $0x0, s4;
	s30 =	sadd.s32 $0x1, s19;
	s11 =	sadd.s32 @p0 s4, s10  }
0x12: {  	_ =	strace $0x9000004E;
	s12 =	sand.u32 @p0 $0x1, s7;
	s11 =	sshll.u32 @p0 s11, $0x4  }
0x13: {  	_ =	strace @p0 $0x8000004F;
	s14 =	simm.s32 @p0 $0x0;
	s11 =	sand.u32 @p0 $0x1FFFFFF0, s11  }
0x14: {  	s13 =	sshll.u32 @p0 s12, $0x7;
	s12 =	sadd.s32 @p0 $0x1, s12;
	s11 =	sadd.s32 @p0 s3, s11  }
0x15: {  	[tilespmem:s13], [sflag:s12] =	stream.linear.gather @p0 [hbm4b:s11+s14], $0x80, $0x200038;
	[tilespmem:$0x8100] =	vst v63  }
0x16: {  	p3 =	por p2, p2;
	s20 =	sshll.u32 s19, $0xE;
	_ =	strace @p0 $0x9000004F  }
0x17: {  	s15 =	sand.u32 $0x80, s15;
	p2 =	por p5, p5;
	_ =	strace $0x80000050  }
0x18: {  	s16 =	sadd.s32 $0x1, s10;
	s21 =	sor.u32 $0x100, s20;
	_ =	swait.ge [sflag:s30], $0x80  }
0x19: {  	s20 =	simm.s32 $0x1;
	p6 =	por p1, p1;
	[sflag:s30] =	ssyncset.done $0x0  }
0x1a: {  	p1 =	por p3, p3;
	p4 =	por $0x1, $0x1;
	[sflag:s30] =	ssyncadd.s32 $0xFFFFFF80  }
0x1b: {  	s11 =	simm.s32 $0x3BF;
	s14 =	sand.u32 @!p3 $0x1, s1;
	_ =	strace $0x90000050  }
0x1c: {  	s12 =	simm.s32 $0x1;
	p3 =	seq.s32 s16, $0x3C0;
	_ =	strace $0x80000051  }
0x1d: {  	s12 =	simm.s32 @!p0 $0x0;
	s16 =	simm.s32 @p3 $0x0;
	s18 =	rddreg [dreg:$0x3]  }
0x1e: {  	p0 =	por $0x0, $0x0;
	s13 =	sadd.s32 $0x1, s12;
	s31 =	rddreg [dreg:$0x2]  }
0x1f: {  	[tilespmem:s21], [sflag:$0x5] =	stream.indirect.gather [hbm4b:s31+s18], $0x80, s15, s18, $0x2000b8;
	[tilespmem:$0x8100] =	vst v63  }
0x20: {  	p3 =	sne.s32 s10, s16;
	s20 =	simm.s32 @!p0 $0x0;
	_ =	swait.ge [sflag:s8], $0x4000  }
0x21: {  	p5 =	por !p4, !p3;
	p4 =	por $0x0, $0x0;
	[sflag:s8] =	ssyncset.done $0x0  }
0x22: {  	s12 =	simm.s32 $0x0;
	p6 =	por p4, p6;
	[sflag:s8] =	ssyncadd.s32 $0xFFFFC000  }
0x23: {  	s15 =	simm.s32 $0x0;
	s18 =	simm.s32 $0x0;
	_ =	strace $0x90000051  }
.LBB2_2:
0x24: {  	_ =	strace @p6 $0x80000052;
	s30 =	smov.u32 s11  }
0x25: {  	s11 =	smov.u32 s17;
	s17 =	sadd.s32 $0xFFFFFFFF, s17;
	p0 =	por p3, p3  }
0x26: {  	s26 =	sshll.u32 @p6 s22, $0xB;
	s19 =	sadd.s32 @p6 $0x3, s19;
	s23 =	simm.s32 @!p0 $0x0  }
0x27: {  	s24 =	rddreg [dreg:$0x4];
	s26 =	sand.u32 @p6 $0x1FFFF800, s26;
	s23 =	simm.s32 @p0 $0x1  }
0x28: {  	s24 =	sadd.s32 @p6 s24, s26;
	s26 =	simm.s32 @p6 $0x0;
	p0 =	sne.s32 s17, $0x0  }
0x29: {  	[hbm4b:s24+s26] =	stream.linear.scatter @p6 [tilespmem:s21], [sflag:s19], $0x4000, $0x200038;
	[tilespmem:$0x8100] =	vst v63  }
0x2a: {  	s12 =	sadd.s32 s20, s12;
	s19 =	sadd.s32 @!p1 $0x3, s14;
	s14 =	simm.s32 @!p0 $0x0  }
0x2b: {  	s25 =	simm.s32 $0x1;
	[smem:$0x7FC] =	sst s23;
	s14 =	simm.s32 @p0 $0x1  }
0x2c: {  	s25 =	simm.s32 @!p6 $0x0;
	_ =	strace @p6 $0x90000052;
	[smem:$0x7FD] =	sst s14  }
0x2d: {  	p5 =	por !p5, !p5;
	s18 =	sadd.s32 s25, s18;
	_ =	strace @!p1 $0x80000053  }
0x2e: {  	s23 =	sand.u32 @!p2 $0x1, s12;
	s21 =	sand.u32 @p5 $0x1, s13;
	_ =	swait.ge @!p1 [sflag:s19], $0x4000  }
0x2f: {  	s14 =	smov.u32 s23;
	s23 =	sadd.s32 @p5 s4, s16;
	[sflag:s19] =	ssyncset.done @!p1 $0x0  }
0x30: {  	s24 =	sshll.u32 @p5 s21, $0x7;
	s23 =	sshll.u32 @p5 s23, $0x4;
	[sflag:s19] =	ssyncadd.s32 @!p1 $0xFFFFC000  }
0x31: {  	s19 =	sadd.s32 @p5 $0x1, s21;
	s21 =	sand.u32 @p5 $0x1FFFFFF0, s23;
	_ =	strace @!p1 $0x90000053  }
0x32: {  	s23 =	simm.s32 @p5 $0x0;
	s21 =	sadd.s32 @p5 s3, s21;
	_ =	strace @p5 $0x8000004F  }
0x33: {  	[tilespmem:s24], [sflag:s19] =	stream.linear.gather @p5 [hbm4b:s21+s23], $0x80, $0x200038;
	[tilespmem:$0x8100] =	vst v63  }
0x34: {  	s15 =	sadd.s32 s25, s15;
	s25 =	sand.u32 $0x1, s18;
	_ =	strace @p5 $0x9000004F  }
0x35: {  	s23 =	sadd.s32 $0x1, s25;
	_ =	strace $0x80000050  }
0x36: {  	_ =	swait.ge [sflag:s23], $0x80  }
0x37: {  	[sflag:s23] =	ssyncset.done $0x0  }
0x38: {  	s19 =	simm.s32 $0x1;
	[sflag:s23] =	ssyncadd.s32 $0xFFFFFF80  }
0x39: {  	s19 =	simm.s32 @!p5 $0x0;
	_ =	strace $0x90000050  }
0x3a: {  	s13 =	sadd.s32 s19, s13;
	s19 =	sand.u32 $0x1, s15;
	_ =	strace $0x80000051  }
0x3b: {  	s31 =	sshll.u32 s18, $0x7;
	s24 =	sshll.u32 s19, $0xE;
	s25 =	rddreg [dreg:$0x3]  }
0x3c: {  	s29 =	sand.u32 $0x80, s31;
	s21 =	sor.u32 $0x100, s24;
	s26 =	rddreg [dreg:$0x2]  }
0x3d: {  	[tilespmem:s21], [sflag:$0x5] =	stream.indirect.gather [hbm4b:s26+s25], $0x80, s29, s25, $0x2000b8;
	[tilespmem:$0x8100] =	vst v63  }
0x3e: {  	_ =	swait.ge [sflag:s8], $0x4000  }
0x3f: {  	[sflag:s8] =	ssyncset.done $0x0  }
0x40: {  	s28 =	sadd.s32 $0x1, s16;
	[sflag:s8] =	ssyncadd.s32 $0xFFFFC000  }
0x41: {  	s22 =	sadd.s32 s4, s10;
	s10 =	smov.u32 s16;
	_ =	strace $0x90000051  }
0x42: {  	p3 =	seq.s32 s28, $0x3C0;
	s16 =	smov.u32 s28;
	s31 =	sld [smem:$0x7FD]  }
0x43: {  	s20 =	simm.s32 $0x1;
	s16 =	simm.s32 @p3 $0x0  }
0x44: {  	p6 =	sne.s32 s11, $0x1;
	p0 =	sne.s32 s30, $0x3C0;
	p3 =	sne.s32 s10, s16  }
0x45: {  	s20 =	simm.s32 @!p0 $0x0;
	p5 =	por !p6, !p3;
	p0 =	seq.s32 s31, $0x1  }
.Ltmp0:
0x46: {  	p6 =	seq.s32 s30, $0x1;
	s30 =	sld [smem:$0x7FC];
	(pc) =	sbr.rel @p0 .LBB2_2-.Ltmp0, $4  }
0x47: {  	_ = 	snop  }
0x48: {  	p4 =	seq.s32 s11, $0x3C0  }
0x49: {  	p1 =	por p2, p2;
	p2 =	por p4, p4;
	p4 =	seq.s32 s30, $0x1  }
0x4a: {  	p6 =	por p6, p4  }
0x4b: {  	_ =	strace @p6 $0x80000052;
	s22 =	sshll.u32 @p6 s22, $0xB  }
0x4c: {  	s17 =	rddreg [dreg:$0x4];
	s22 =	sand.u32 @p6 $0x1FFFF800, s22  }
0x4d: {  	s19 =	sadd.s32 @p6 $0x3, s19;
	s17 =	sadd.s32 @p6 s17, s22;
	s22 =	simm.s32 @p6 $0x0  }
0x4e: {  	[hbm4b:s17+s22] =	stream.linear.scatter @p6 [tilespmem:s21], [sflag:s19], $0x4000, $0x200038;
	[tilespmem:$0x8100] =	vst v63  }
0x4f: {  	p0 =	por !p5, !p5;
	_ =	strace @p6 $0x90000052  }
0x50: {  	s14 =	sadd.s32 @!p1 $0x3, s14;
	s16 =	sadd.s32 @p0 s4, s16;
	_ =	strace @!p1 $0x80000053  }
0x51: {  	s13 =	sand.u32 @p0 $0x1, s13;
	s16 =	sshll.u32 @p0 s16, $0x4;
	_ =	swait.ge @!p1 [sflag:s14], $0x4000  }
0x52: {  	s17 =	simm.s32 $0x1;
	s19 =	sshll.u32 @p0 s13, $0x7;
	[sflag:s14] =	ssyncset.done @!p1 $0x0  }
0x53: {  	s13 =	sadd.s32 @p0 $0x1, s13;
	s17 =	simm.s32 @!p6 $0x0;
	[sflag:s14] =	ssyncadd.s32 @!p1 $0xFFFFC000  }
0x54: {  	s18 =	sadd.s32 s17, s18;
	s14 =	sand.u32 @p0 $0x1FFFFFF0, s16;
	_ =	strace @!p1 $0x90000053  }
0x55: {  	s16 =	simm.s32 @p0 $0x0;
	s14 =	sadd.s32 @p0 s3, s14;
	_ =	strace @p0 $0x8000004F  }
0x56: {  	[tilespmem:s19], [sflag:s13] =	stream.linear.gather @p0 [hbm4b:s14+s16], $0x80, $0x200038;
	[tilespmem:$0x8100] =	vst v63  }
0x57: {  	s24 =	sand.u32 $0x1, s18;
	_ =	strace @p0 $0x9000004F  }
0x58: {  	s13 =	sadd.s32 $0x1, s24;
	_ =	strace $0x80000050  }
0x59: {  	_ =	swait.ge [sflag:s13], $0x80  }
0x5a: {  	[sflag:s13] =	ssyncset.done $0x0  }
0x5b: {  	[sflag:s13] =	ssyncadd.s32 $0xFFFFFF80  }
0x5c: {  	s25 =	sadd.s32 s17, s15;
	_ =	strace $0x90000050  }
0x5d: {  	s13 =	sand.u32 $0x1, s25;
	_ =	strace $0x80000051  }
0x5e: {  	s29 =	sshll.u32 s18, $0x7;
	s30 =	sshll.u32 s13, $0xE;
	s26 =	rddreg [dreg:$0x3]  }
0x5f: {  	s16 =	sand.u32 $0x80, s29;
	s17 =	sor.u32 $0x100, s30;
	s28 =	rddreg [dreg:$0x2]  }
0x60: {  	[tilespmem:s17], [sflag:$0x5] =	stream.indirect.gather [hbm4b:s28+s26], $0x80, s16, s26, $0x2000b8;
	[tilespmem:$0x8100] =	vst v63  }
0x61: {  	_ =	swait.ge [sflag:s8], $0x4000  }
0x62: {  	[sflag:s8] =	ssyncset.done $0x0  }
0x63: {  	p5 =	por p3, p3;
	p6 =	seq.s32 s11, $0x1;
	[sflag:s8] =	ssyncadd.s32 $0xFFFFC000  }
0x64: {  	s10 =	sadd.s32 s4, s10;
	p0 =	por p6, p5;
	_ =	strace $0x90000051  }
0x65: {  	s10 =	sshll.u32 @p0 s10, $0xB;
	_ =	strace @p0 $0x80000052  }
0x66: {  	s12 =	sadd.s32 s20, s12;
	s10 =	sand.u32 @p0 $0x1FFFF800, s10;
	s14 =	rddreg [dreg:$0x4]  }
0x67: {  	s13 =	sadd.s32 @p0 $0x3, s13;
	s10 =	sadd.s32 @p0 s14, s10;
	s14 =	simm.s32 @p0 $0x0  }
0x68: {  	[hbm4b:s10+s14] =	stream.linear.scatter @p0 [tilespmem:s17], [sflag:s13], $0x4000, $0x200038;
	[tilespmem:$0x8100] =	vst v63  }
0x69: {  	p1 =	por p2, p2;
	s10 =	sand.u32 @!p2 $0x1, s12;
	_ =	strace @p0 $0x90000052  }
0x6a: {  	s10 =	sadd.s32 @!p1 $0x3, s10;
	_ =	strace @!p1 $0x80000053  }
0x6b: {  	p0 =	sne.s32 s11, $0x3C0;
	s11 =	simm.s32 $0x1;
	_ =	swait.ge @!p1 [sflag:s10], $0x4000  }
0x6c: {  	s11 =	simm.s32 @!p0 $0x0;
	[sflag:s10] =	ssyncset.done @!p1 $0x0  }
0x6d: {  	s9 =	sadd.s32 $0x1, s9;
	s11 =	sadd.s32 s11, s12;
	[sflag:s10] =	ssyncadd.s32 @!p1 $0xFFFFC000  }
0x6e: {  	p0 =	sne.s32 s9, s6;
	s31 =	sand.u32 $0x1, s11;
	_ =	strace @!p1 $0x90000053  }
.Ltmp1:
0x6f: {  	s10 =	sadd.s32 $0x3, s31;
	_ =	strace $0x80000054;
	(pc) =	sbr.rel @p0 .LBB2_1-.Ltmp1, $4  }
0x70: {  	_ =	swait.ge [sflag:s10], $0x4000  }
0x71: {  	[sflag:s10] =	ssyncset.done $0x0  }
0x72: {  	[sflag:s10] =	ssyncadd.s32 $0xFFFFC000  }
0x73: {  	_ =	strace $0x90000054  }
0x74: {  	_ =	sfence.sel $0x180000  }
0x75: {  	[bflag:$0x0] =	sbarrier.arrive $0xFFFF  }
0x76: {  	p0 =	sne.s32 s2, $0x0;
	_ =	strace $0x9000004D  }
0x77: {  	s0 =	sadd.s32 @!p0 $0x100000, s0;
	[bflag:$0x2] =	sbarrier.arrive $0xFFFF  }
0x78: {  	[sflag:s0] =	ssyncadd.tile.s32 @!p0 $0x1;
	_ =	shalt  }
.Lfunc_end2:
_tile_overlayer_lowered:
.L_overlay_start_2:
0x79: {  	(tag) =	ssettag $0x2  }
0x7a: {  	s0 =	rddreg [dreg:$0x0];
	s2 =	stileid.u32  }
0x7b: {  	s1 =	rddreg [dreg:$0x1];
	p0 =	sne.s32 s2, $0x0  }
0x7c: {  	s3 =	rddreg [dreg:$0x2];
	[bflag:$0x3] =	sbarrier.arrive $0xFFFF;
	s2 =	simm.s32 @!p0 $0x1C01  }
0x7d: {  	[timem:s3], [sflag:s2] =	dma.local @!p0 [hbm:s0], s1  }
0x7e: {  	s0 =	simm.s32 @!p0 $0x1  }
0x7f: {  	_ =	swait.ge @!p0 [sflag:s0], s1  }
0x80: {  	s1 =	ssub.s32 @!p0 $0x0, s1;
	[sflag:s0] =	ssyncset.done @!p0 $0x0  }
0x81: {  	[sflag:s0] =	ssyncadd.s32 @!p0 s1  }
0x82: {  	[bflag:$0x3] =	sbarrier.arrive $0xFFFF  }
0x83: {  	_ =	shalt  }

// kernel: sparse-core-data-format-call.1.cloned.1.call-start
scs
called_computation.1_lowered:
.L_overlay_start_0:
0x0: {  	s1 =	sld [smem:$0x3FD9]  }
0x1: {  	s2 =	sld [smem:$0x3FFE];
	_ =	sdelay $0x1  }
0x2: {  	s3 =	srdreg.scid  }
0x3: {  	s0 =	sand.u32 $0x1, s3  }
0x4: {  	s17 =	sshll.u32 s0, $0xA;
	s1 =	sadd.s32 s2, s1  }
0x5: {  	s1 =	sadd.s32 s1, s17  }
0x6: {  	[smem:$0x3FBB] =	sst s1  }
0x7: {  	_ = 	snop  }
0x8: {  	(tm) =	ssettm $0x1  }
0x9: {  	s18 =	sld [smem:$0x3FFB];
	_ =	sdelay $0x3  }
0xa: {  	_ =	strace s18  }
0xb: {  	s1 =	sld [smem:$0x3FFC];
	_ =	sdelay $0x3  }
0xc: {  	_ =	strace s1  }
0xd: {  	s1 =	sld [smem:$0x3FFD];
	_ =	sdelay $0x3  }
0xe: {  	_ =	strace s1  }
0xf: {  	_ =	strace $0x8FFFFFFF  }
0x10: {  	s19 =	sld [smem:$0x3FDB];
	_ =	sdelay $0x1  }
0x11: {  	s20 =	simm.s32 $_scs_section_size  }
0x12: {  	s4 =	simm.s32 $_size__tile_overlayer_lowered;
	s5 =	simm.s32 $_tile_overlayer_lowered  }
0x13: {  	s23 =	simm.s32 $0x1BFF;
	s22 =	sshll.u32 s5, $0x1;
	s1 =	sadd.s32 s20, s19  }
0x14: {  	s6 =	simm.s32 $0x0;
	s21 =	sshll.u32 s4, $0x1;
	s4 =	sadd.s32 s22, s1  }
0x15: {  	[timem:s6], [sflag:s23] =	dma.local [hbm:s4], s21  }
0x16: {  	_ =	swait.ge [sflag:s23], s21  }
0x17: {  	s2 =	ssub.s32 $0x0, s21;
	[sflag:s23] =	ssyncset.done $0x0  }
0x18: {  	[sflag:s23] =	ssyncadd.s32 s2;
	_ =	sdelay $0x1  }
0x19: {  	s24 =	simm.s32 $0x1B8B  }
0x1a: {  	_ =	swait.ge [sflag:s24], $0x1  }
0x1b: {  	[sflag:s24] =	ssyncset.done $0x0  }
0x1c: {  	s26 =	simm.s32 $0x1B8E;
	s25 =	sld [smem:$0x3FFE];
	[sflag:s24] =	ssyncadd.s32 $0xFFFFFFFF  }
0x1d: {  	s27 =	simm.s32 $execute0_lowered;
	[smem:$0x3FD2] =	sst s26  }
0x1e: {  	s4 =	sshll.u32 s27, $0x1;
	_ =	strace $0x80000046;
	[dreg:$0x1] =	wrdreg $0xFFFFFFFF  }
0x1f: {  	s28 =	simm.s32 $_size_execute0_lowered;
	s1 =	sadd.s32 s1, s4;
	[dreg:$0x0] =	wrdreg $0x0  }
0x20: {  	s4 =	sshll.u32 s28, $0x1;
	[dreg:$0x2] =	wrdreg s1  }
0x21: {  	[dreg:$0x3] =	wrdreg s4  }
0x22: {  	[dreg:$0x4] =	wrdreg $0xC0  }
0x23: {  	_ =	task [dreg:s6], $0x5FFFF  }
0x24: {  	[dreg:$0x1] =	wrdreg $0xFFFFFFFF  }
0x25: {  	[dreg:$0x0] =	wrdreg $0x60  }
0x26: {  	[dreg:$0x2] =	wrdreg s25  }
0x27: {  	[dreg:$0x3] =	wrdreg $0x9  }
0x28: {  	_ =	task.clear_ibuf [dreg:s6], $0x4FFFF;
	_ =	strace $0x90000046  }
0x29: {  	s29 =	simm.s32 $0x9;
	_ =	strace $0x80000048  }
0x2a: {  	_ =	swait.ge [sflag:s29], $0x1  }
0x2b: {  	[sflag:s29] =	ssyncadd.s32 $0xFFFFFFFF  }
0x2c: {  	_ =	strace $0x90000048  }
0x2d: {  	_ =	sfence  }
0x2e: {  	s30 =	sld [smem:$0x0];
	_ =	sdelay $0x2  }
0x2f: {  	s31 =	sshll.u32 s3, $0xD;
	s3 =	sshrl.u32 s3, $0x2  }
0x30: {  	s2 =	sand.u32 $0x4000, s31;
	s1 =	sadd.s32 s3, s30  }
0x31: {  	s0 =	sor.u32 s2, s0;
	s1 =	sshll.u32 s1, $0x11  }
0x32: {  	s0 =	sor.u32 s1, s0  }
0x33: {  	s0 =	sadd.s32 $0x8F2B, s0  }
0x34: {  	[sflag:s0] =	ssyncadd.remote.s32 $0x1  }
0x35: {  	_ =	sfence.sel $0xFFFF  }
0x36: {  	[dreg:$0x0] =	wrdreg $0xFFFFFFFF;
	(pc) =	sbr.abs _section_cstart, $3  }
0x37: {  	[dreg:$0x1] =	wrdreg $0xFFFFFFFF  }
0x38: {  	_ =	task.clear_ibuf [dreg:s6], $0x2FFFF;
	_ =	strace $0x9FFFFFFF  }
0x39: {  	(tm) =	ssettm $0x7FFFFFFF  }
tec
execute0_lowered:
.L_overlay_start_1:
0x0: {  	(tag) =	ssettag $0x1  }
0x1: {  	s4 =	rddreg [dreg:$0x0]  }
0x2: {  	s0 =	rddreg [dreg:$0x1];
	s1 =	stileid.u32  }
0x3: {  	_ =	strace $0x80000047;
	s5 =	srdreg.scid;
	s8 =	simm.s32 $0x2  }
0x4: {  	s20 =	simm.s32 $0x0;
	p0 =	por $0x0, $0x0;
	s9 =	simm.s32 $0x400  }
0x5: {  	s19 =	simm.s32 $0x0;
	s21 =	simm.s32 $0x0;
	s22 =	simm.s32 $0x0  }
0x6: {  	s10 =	simm.s32 $0x0;
	s11 =	simm.s32 $0x0;
	s12 =	simm.s32 $0x0  }
0x7: {  	s13 =	simm.s32 $0x0;
	s14 =	simm.s32 $0x0;
	s15 =	simm.s32 $0x0  }
0x8: {  	s18 =	simm.s32 $0x0;
	s2 =	sand.u32 $0x3, s1;
	s3 =	sadd.s32 $0x771400, s4  }
.Ltmp0:
0x9: {  	s5 =	sshll.u32 s5, $0x4;
	s6 =	ssub.s32 $0x9, s2;
	(pc) =	sbr.rel .LBB1_1-.Ltmp0, $4  }
0xa: {  	s4 =	sadd.s32 $0x1D1400, s4;
	s5 =	sand.u32 $0x10, s5;
	s6 =	sshrl.u32 s6, $0x2  }
0xb: {  	s7 =	sor.u32 s1, s5;
	s5 =	simm.s32 $0x1;
	s6 =	smul.u32 $0x2F, s6  }
0xc: {  	s17 =	smov.u32 s2;
	s7 =	sshrl.u32 s7, $0x2;
	[sflag:s5] =	ssyncpa.u1 $0x0  }
0xd: {  	[sflag:s8] =	ssyncpa.u1 $0x0;
	s16 =	smov.u32 s7;
	s8 =	sadd.s32 $0x1, s6  }
.LBB1_4:
0xe: {  	p1 =	sgt.s32 s13, $0x5  }
0xf: {  	s28 =	smov.u32 s13;
	s29 =	sshra.s32 s13, $0x1F;
	s27 =	sshra.s32 s27, $0x2  }
0x10: {  	p2 =	sgt.s32 s12, $0x7;
	s30 =	sshra.s32 s12, $0x1F;
	s28 =	simm.s32 @!p1 $0x5  }
0x11: {  	s29 =	sand.u32 s29, s13;
	s26 =	sadd.s32 s27, s26;
	s31 =	sand.u32 s30, s12  }
0x12: {  	s30 =	smov.u32 s10;
	s27 =	ssub.s32 s28, s29;
	s29 =	smov.u32 s12  }
0x13: {  	s28 =	sadd.s32 $0xFFFFFFFB, s27;
	s29 =	simm.s32 @!p2 $0x7;
	p2 =	sgt.s32 s10, $0x2E  }
0x14: {  	s27 =	ssub.s32 $0x6, s27;
	p1 =	sgt.s32 s28, $0x0;
	s28 =	ssub.s32 s29, s31  }
0x15: {  	s31 =	sshra.s32 s10, $0x1F;
	s30 =	simm.s32 @!p2 $0x2E;
	s27 =	smul.u32 $0x51, s27  }
0x16: {  	v5 =	vld [tilespmem:s24+$0xFFFFFFD0];
	[tilespmem:s25+$0x2040 ss:$0x81] =	vst.msk $0xffff, v4;
	s29 =	sand.u32 s31, s10;
	s31 =	sadd.s32 $0xFFFFFFF9, s28;
	s28 =	ssub.s32 $0x8, s28  }
0x17: {  	v58 =	vld [tilespmem:s24+$0xFFFFFFE0];
	[tilespmem:s25+$0x2850 ss:$0x81] =	vst.msk $0xffff, v3;
	s29 =	ssub.s32 s30, s29;
	p2 =	sgt.s32 s31, $0x0;
	s31 =	ssub.s32 $0x0, s11  }
0x18: {  	v59 =	vld [tilespmem:s24+$0xFFFFFFF0];
	[tilespmem:s25+$0x3060 ss:$0x81] =	vst.msk $0xffff, v2;
	s27 =	simm.s32 @p1 $0x0;
	s28 =	simm.s32 @p2 $0x0;
	s30 =	smin.u32 s11, s31  }
0x19: {  	[tilespmem:s25+$0x0 ss:$0x81] =	vst.msk $0xffff, v1;
	v60 =	vld [tilespmem:s24+$0x0];
	p1 =	sgt.s32 s30, $0x7F;
	s25 =	ssub.s32 $0x80, s30;
	s27 =	smul.u32 s28, s27  }
0x1a: {  	v61 =	vld [tilespmem:s24+$0x10];
	[tilespmem:s26+$0x3870 ss:$0x81] =	vst.msk $0xffff, v0;
	s30 =	sadd.s32 $0xFFFFFFD2, s29;
	s25 =	simm.s32 @p1 $0x0  }
0x1b: {  	v62 =	vld [tilespmem:s24+$0x20];
	[tilespmem:s26+$0x810 ss:$0x81] =	vst.msk $0xffff, v5;
	s28 =	ssub.s32 $0x2F, s29;
	p1 =	sgt.s32 s30, $0x0;
	s25 =	smul.u32 s25, s27  }
0x1c: {  	v63 =	vld [tilespmem:s24+$0xFFFFFFC0];
	[tilespmem:s26+$0x1020 ss:$0x81] =	vst.msk $0xffff, v58;
	s31 =	smul.u32 $0x76F80, s13;
	s28 =	simm.s32 @p1 $0x0  }
0x1d: {  	[tilespmem:s26+$0x1830 ss:$0x81] =	vst.msk $0xffff, v59;
	s29 =	sshll.u32 s12, $0x4;
	s25 =	smul.u32 s28, s25  }
0x1e: {  	[tilespmem:s26+$0x2040 ss:$0x81] =	vst.msk $0xffff, v60;
	s24 =	sadd.s32 s4, s31;
	s27 =	sand.u32 $0x70, s29;
	s28 =	smul.u32 $0x2880, s10  }
0x1f: {  	[tilespmem:s26+$0x2850 ss:$0x81] =	vst.msk $0xffff, v61;
	s30 =	sshrl.u32 s11, $0x3;
	s31 =	sand.u32 $0x7, s11;
	s24 =	sadd.s32 s27, s24  }
0x20: {  	[tilespmem:s26+$0x3060 ss:$0x81] =	vst.msk $0xffff, v62;
	s30 =	sand.u32 $0xF, s30;
	s27 =	sshll.u32 s31, $0x12;
	s24 =	sadd.s32 s28, s24  }
0x21: {  	[tilespmem:s26+$0x0 ss:$0x81] =	vst.msk $0xffff, v63;
	s31 =	sor.u32 $0x80, s27;
	s25 =	sand.u32 $0x3FFFFFFF, s25;
	s24 =	sadd.s32 s30, s24  }
0x22: {  	[hbm4b:s24+s31] =	stream.strided.scatter [tilespmem:s23], [sflag:$0x2], s25, s9, s31, $0x20;
	[tilespmem:$0x10100] =	vst v63  }
.LBB1_5:
0x23: {  	p1 =	slt.u32 s18, $0x2;
	s23 =	smov.u32 s22  }
0x24: {  	s27 =	smov.u32 s17;
	p2 =	sgt.s32 @!p1 s22, $0x5;
	s24 =	sshra.s32 @!p1 s22, $0x1F  }
0x25: {  	p3 =	sgt.s32 @!p1 s21, $0x7;
	s25 =	sshra.s32 @!p1 s21, $0x1F;
	p2 =	por !p2, p1  }
0x26: {  	s22 =	sand.u32 @!p1 s24, s22;
	p3 =	por !p3, p1;
	s24 =	smov.u32 s21  }
0x27: {  	s21 =	sand.u32 @!p1 s25, s21;
	s23 =	simm.s32 @p2 $0x5;
	p2 =	sgt.s32 @!p1 s20, $0x2E  }
0x28: {  	s24 =	simm.s32 @p3 $0x7;
	s22 =	ssub.s32 @!p1 s23, s22;
	s23 =	sshra.s32 @!p1 s20, $0x1F  }
0x29: {  	p2 =	por !p2, p1;
	s21 =	ssub.s32 @!p1 s24, s21;
	s23 =	sand.u32 @!p1 s23, s20  }
0x2a: {  	s25 =	sadd.s32 @!p1 $0xFFFFFFFB, s22;
	s20 =	simm.s32 @p2 $0x2E;
	s22 =	ssub.s32 @!p1 $0x6, s22  }
0x2b: {  	p2 =	sgt.s32 @!p1 s25, $0x0;
	s20 =	ssub.s32 @!p1 s20, s23;
	s23 =	sadd.s32 @!p1 $0xFFFFFFF9, s21  }
0x2c: {  	s21 =	ssub.s32 @!p1 $0x8, s21;
	s22 =	smul.u32 @!p1 $0x51, s22;
	s24 =	sadd.s32 @!p1 $0xFFFFFFD2, s20  }
0x2d: {  	p3 =	sgt.s32 @!p1 s23, $0x0;
	s23 =	ssub.s32 @!p1 $0x0, s19;
	p2 =	por !p2, p1  }
0x2e: {  	s20 =	ssub.s32 @!p1 $0x2F, s20;
	p3 =	por !p3, p1;
	s19 =	smin.u32 @!p1 s19, s23  }
0x2f: {  	s22 =	simm.s32 @!p2 $0x0;
	s21 =	simm.s32 @!p3 $0x0;
	p3 =	sgt.s32 @!p1 s19, $0x7F  }
0x30: {  	s19 =	ssub.s32 @!p1 $0x80, s19;
	p2 =	por !p3, p1;
	s21 =	smul.u32 @!p1 s21, s22  }
0x31: {  	s23 =	sadd.s32 $0x1, s14;
	p3 =	sgt.s32 @!p1 s24, $0x0;
	s19 =	simm.s32 @!p2 $0x0  }
0x32: {  	s24 =	smov.u32 s15;
	p2 =	por !p3, p1;
	s19 =	smul.u32 @!p1 s19, s21  }
0x33: {  	s20 =	simm.s32 @!p2 $0x0;
	p2 =	sgt.s32 s23, $0x2E;
	s21 =	sadd.s32 $0x80, s15  }
0x34: {  	p0 =	por !p0, !p0;
	s25 =	smov.u32 s16;
	s24 =	smov.u32 @p2 s21  }
0x35: {  	s19 =	smul.u32 @!p1 s20, s19;
	p3 =	sgt.s32 s24, $0x7F;
	s20 =	sadd.s32 $0x8, s16  }
0x36: {  	s26 =	simm.s32 @!p1 $0x2;
	s22 =	smov.u32 s13;
	s25 =	smov.u32 @p3 s20  }
0x37: {  	s13 =	smov.u32 s17;
	s20 =	sadd.s32 $0x4, s17;
	p4 =	sgt.s32 s25, $0x7  }
0x38: {  	s23 =	simm.s32 @p2 $0x0;
	s21 =	smov.u32 s12;
	s27 =	smov.u32 @p4 s20  }
0x39: {  	s12 =	smov.u32 s16;
	s24 =	simm.s32 @p3 $0x0;
	p2 =	sgt.s32 s27, $0x5  }
0x3a: {  	s19 =	sand.u32 @!p1 $0x3FFFFFFF, s19;
	s27 =	smov.u32 @p2 s2;
	p2 =	sne.s32 s18, s8  }
.Ltmp1:
0x3b: {  	_ =	swait.ge @!p1 [sflag:s26], s19;
	s28 =	ssub.s32 @!p1 $0x0, s19;
	(pc) =	sbr.rel @!p2 .LBB1_6-.Ltmp1, $4  }
0x3c: {  	s25 =	smov.u32 @p4 s7;
	s20 =	smov.u32 s10;
	s19 =	smov.u32 s11  }
0x3d: {  	s10 =	smov.u32 s14;
	s11 =	smov.u32 s15;
	s14 =	smov.u32 s23  }
0x3e: {  	s15 =	smov.u32 s24;
	[sflag:s26] =	ssyncset.done @!p1 $0x0;
	s16 =	smov.u32 s25  }
0x3f: {  	s18 =	sadd.s32 $0x1, s18;
	[sflag:s26] =	ssyncadd.s32 @!p1 s28;
	s17 =	smov.u32 s27  }
.LBB1_1:
0x40: {  	p1 =	sge.u32 s18, s6  }
0x41: {  	s23 =	sand.u32 @!p1 $0x1FFFFFF, s14;
	s25 =	smul.u32 @!p1 $0xC0000, s17  }
0x42: {  	s24 =	smulhi.u32 @!p1 $0x5555556, s23  }
0x43: {  	s26 =	smul.u32 @!p1 $0x18000, s16  }
0x44: {  	s31 =	sadd.s32 $0xFFFFFFFF, s18;
	s24 =	smul.u32 @!p1 $0x30, s24  }
0x45: {  	s27 =	sxor.u32 @!p1 $0xFFFFFFFF, s18;
	s28 =	smul.u32 @!p1 $0x300, s15;
	s25 =	sadd.s32 @!p1 s3, s25  }
0x46: {  	s25 =	sadd.s32 @!p1 s26, s25;
	s26 =	simm.s32 @!p1 $0x1800;
	s23 =	ssub.s32 @!p1 s23, s24  }
0x47: {  	s25 =	sadd.s32 @!p1 s28, s25;
	s24 =	sshll.u32 @!p1 s27, $0xE;
	s23 =	sshll.u32 @!p1 s23, $0x4  }
0x48: {  	s24 =	sand.u32 @!p1 $0x4000, s24;
	s23 =	sadd.s32 @!p1 s23, s25;
	s25 =	simm.s32 @!p1 $0x80  }
0x49: {  	[tilespmem:s24], [sflag:$0x1] =	stream.strided.gather @!p1 [hbm4b:s23+s25], $0x4000, s26, s25, $0x38;
	[tilespmem:$0x10100] =	vst v63  }
0x4a: {  	p1 =	sge.u32 s31, s6  }
.Ltmp2:
0x4b: {  	_ = 	snop;
	(pc) =	sbr.rel @p1 .LBB1_5-.Ltmp2, $1  }
0x4c: {  	_ =	sdelay $0x3  }
0x4d: {  	s23 =	simm.s32 $0x1  }
0x4e: {  	_ =	swait.ge [sflag:s5], $0x4000;
	s23 =	simm.s32 @!p0 $0x0  }
0x4f: {  	[sflag:s5] =	ssyncset.done $0x0;
	s24 =	sshll.u32 s23, $0xE  }
0x50: {  	[sflag:s5] =	ssyncadd.s32 $0xFFFFC000;
	s24 =	sor.u32 $0x40, s24  }
0x51: {  	s23 =	smul.u32 $0x10200, s23;
	v0 =	vld [tilespmem:s24+$0x30]  }
0x52: {  	v1 =	vld [tilespmem:s24+$0xFFFFFFD0]  }
0x53: {  	s23 =	sshrl.u32 s23, $0x2;
	v5 =	vld [tilespmem:s24+$0xFFFFFFE0]  }
0x54: {  	v6 =	vld [tilespmem:s24+$0xFFFFFFF0];
	s26 =	sor.u32 $0x8000, s23  }
0x55: {  	s31 =	sand.u32 $0x1, s18;
	v4 =	vld [tilespmem:s24+$0x0];
	s25 =	sadd.s32 $0x0, s26  }
0x56: {  	v3 =	vld [tilespmem:s24+$0x10];
	s23 =	smul.u32 $0x10200, s31;
	[tilespmem:s25+$0x3870 ss:$0x81] =	vst.msk $0xffff, v0  }
0x57: {  	v2 =	vld [tilespmem:s24+$0x20];
	[tilespmem:s25+$0x810 ss:$0x81] =	vst.msk $0xffff, v1  }
0x58: {  	s23 =	sshrl.u32 s23, $0x2;
	v1 =	vld [tilespmem:s24+$0xFFFFFFC0];
	[tilespmem:s25+$0x1020 ss:$0x81] =	vst.msk $0xffff, v5;
	s24 =	sadd.s32 $0x80, s24  }
0x59: {  	s27 =	simm.s32 $0x4;
	s28 =	simm.s32 $0x8;
	s23 =	sor.u32 $0x8000, s23;
	[tilespmem:s25+$0x1830 ss:$0x81] =	vst.msk $0xffff, v6;
	v0 =	vld [tilespmem:s24+$0x30]  }
.LBB1_3:
0x5a: {  	p1 =	sne.s32 s28, $0x1FC;
	v5 =	vld [tilespmem:s24+$0xFFFFFFD0];
	[tilespmem:s25+$0x2040 ss:$0x81] =	vst.msk $0xffff, v4  }
0x5b: {  	v6 =	vld [tilespmem:s24+$0xFFFFFFE0];
	[tilespmem:s25+$0x2850 ss:$0x81] =	vst.msk $0xffff, v3  }
0x5c: {  	s29 =	sshra.s32 s27, $0x2;
	s27 =	smov.u32 s28;
	v7 =	vld [tilespmem:s24+$0xFFFFFFF0];
	[tilespmem:s25+$0x3060 ss:$0x81] =	vst.msk $0xffff, v2  }
.Ltmp3:
0x5d: {  	v4 =	vld [tilespmem:s24+$0x0];
	[tilespmem:s25+$0x0 ss:$0x81] =	vst.msk $0xffff, v1;
	s25 =	sadd.s32 s29, s26;
	(pc) =	sbr.rel @p1 .LBB1_3-.Ltmp3, $4  }
0x5e: {  	v3 =	vld [tilespmem:s24+$0x10];
	[tilespmem:s25+$0x3870 ss:$0x81] =	vst.msk $0xffff, v0  }
0x5f: {  	[tilespmem:s25+$0x810 ss:$0x81] =	vst.msk $0xffff, v5;
	v2 =	vld [tilespmem:s24+$0x20]  }
0x60: {  	v1 =	vld [tilespmem:s24+$0xFFFFFFC0];
	[tilespmem:s25+$0x1020 ss:$0x81] =	vst.msk $0xffff, v6;
	s24 =	sadd.s32 $0x80, s24  }
0x61: {  	s28 =	sadd.s32 $0x4, s28;
	v0 =	vld [tilespmem:s24+$0x30];
	[tilespmem:s25+$0x1830 ss:$0x81] =	vst.msk $0xffff, v7  }
.Ltmp4:
0x62: {  	_ = 	snop;
	(pc) =	sbr.rel .LBB1_4-.Ltmp4, $1  }
0x63: {  	_ =	sdelay $0x3  }
.LBB1_6:
0x64: {  	_ =	sfence.sel $0x180000  }
0x65: {  	s2 =	simm.s32 $0x1;
	[bflag:$0x0] =	sbarrier.arrive $0xFFFF  }
0x66: {  	s31 =	simm.s32 $0x2;
	[sflag:s2] =	ssyncpa.u1 $0x1  }
0x67: {  	[sflag:s31] =	ssyncpa.u1 $0x1  }
0x68: {  	p0 =	sne.s32 s1, $0x0;
	_ =	strace $0x90000047  }
0x69: {  	s0 =	sadd.s32 @!p0 $0x100000, s0;
	[bflag:$0x2] =	sbarrier.arrive $0xFFFF  }
0x6a: {  	[sflag:s0] =	ssyncadd.tile.s32 @!p0 $0x1;
	_ =	shalt  }
.Lfunc_end1:
_tile_overlayer_lowered:
.L_overlay_start_2:
0x6b: {  	(tag) =	ssettag $0x2  }
0x6c: {  	s0 =	rddreg [dreg:$0x0];
	s2 =	stileid.u32  }
0x6d: {  	s1 =	rddreg [dreg:$0x1];
	p0 =	sne.s32 s2, $0x0  }
0x6e: {  	s3 =	rddreg [dreg:$0x2];
	[bflag:$0x3] =	sbarrier.arrive $0xFFFF;
	s2 =	simm.s32 @!p0 $0x1C01  }
0x6f: {  	[timem:s3], [sflag:s2] =	dma.local @!p0 [hbm:s0], s1  }
0x70: {  	s0 =	simm.s32 @!p0 $0x1  }
0x71: {  	_ =	swait.ge @!p0 [sflag:s0], s1  }
0x72: {  	s1 =	ssub.s32 @!p0 $0x0, s1;
	[sflag:s0] =	ssyncset.done @!p0 $0x0  }
0x73: {  	[sflag:s0] =	ssyncadd.s32 @!p0 s1  }
0x74: {  	[bflag:$0x3] =	sbarrier.arrive $0xFFFF  }
0x75: {  	_ =	shalt  }

// kernel: sparse-core-data-format-call.cloned.1.call-start
scs
called_computation_lowered:
.L_overlay_start_0:
0x0: {  	s1 =	sld [smem:$0x3FD9]  }
0x1: {  	s2 =	sld [smem:$0x3FFE];
	_ =	sdelay $0x1  }
0x2: {  	s3 =	srdreg.scid  }
0x3: {  	s0 =	sand.u32 $0x1, s3  }
0x4: {  	s17 =	sshll.u32 s0, $0xA;
	s1 =	sadd.s32 s2, s1  }
0x5: {  	s1 =	sadd.s32 s1, s17  }
0x6: {  	[smem:$0x3FBB] =	sst s1  }
0x7: {  	_ = 	snop  }
0x8: {  	(tm) =	ssettm $0x1  }
0x9: {  	s18 =	sld [smem:$0x3FFB];
	_ =	sdelay $0x3  }
0xa: {  	_ =	strace s18  }
0xb: {  	s1 =	sld [smem:$0x3FFC];
	_ =	sdelay $0x3  }
0xc: {  	_ =	strace s1  }
0xd: {  	s1 =	sld [smem:$0x3FFD];
	_ =	sdelay $0x3  }
0xe: {  	_ =	strace s1  }
0xf: {  	_ =	strace $0x8FFFFFFF  }
0x10: {  	s19 =	sld [smem:$0x3FDB];
	_ =	sdelay $0x1  }
0x11: {  	s20 =	simm.s32 $_scs_section_size  }
0x12: {  	s4 =	simm.s32 $_size__tile_overlayer_lowered;
	s5 =	simm.s32 $_tile_overlayer_lowered  }
0x13: {  	s23 =	simm.s32 $0x1BFF;
	s22 =	sshll.u32 s5, $0x1;
	s1 =	sadd.s32 s20, s19  }
0x14: {  	s6 =	simm.s32 $0x0;
	s21 =	sshll.u32 s4, $0x1;
	s4 =	sadd.s32 s22, s1  }
0x15: {  	[timem:s6], [sflag:s23] =	dma.local [hbm:s4], s21  }
0x16: {  	_ =	swait.ge [sflag:s23], s21  }
0x17: {  	s2 =	ssub.s32 $0x0, s21;
	[sflag:s23] =	ssyncset.done $0x0  }
0x18: {  	[sflag:s23] =	ssyncadd.s32 s2;
	_ =	sdelay $0x1  }
0x19: {  	s24 =	simm.s32 $0x1B8B  }
0x1a: {  	_ =	swait.ge [sflag:s24], $0x1  }
0x1b: {  	[sflag:s24] =	ssyncset.done $0x0  }
0x1c: {  	s26 =	simm.s32 $0x1B8E;
	s25 =	sld [smem:$0x3FFE];
	[sflag:s24] =	ssyncadd.s32 $0xFFFFFFFF  }
0x1d: {  	s27 =	simm.s32 $execute0_lowered;
	[smem:$0x3FD2] =	sst s26  }
0x1e: {  	s4 =	sshll.u32 s27, $0x1;
	_ =	strace $0x80000049;
	[dreg:$0x1] =	wrdreg $0xFFFFFFFF  }
0x1f: {  	s28 =	simm.s32 $_size_execute0_lowered;
	s1 =	sadd.s32 s1, s4;
	[dreg:$0x0] =	wrdreg $0x0  }
0x20: {  	s4 =	sshll.u32 s28, $0x1;
	[dreg:$0x2] =	wrdreg s1  }
0x21: {  	[dreg:$0x3] =	wrdreg s4  }
0x22: {  	[dreg:$0x4] =	wrdreg $0xC0  }
0x23: {  	_ =	task [dreg:s6], $0x5FFFF  }
0x24: {  	[dreg:$0x1] =	wrdreg $0xFFFFFFFF  }
0x25: {  	[dreg:$0x0] =	wrdreg $0x60  }
0x26: {  	[dreg:$0x2] =	wrdreg s25  }
0x27: {  	[dreg:$0x3] =	wrdreg $0x9  }
0x28: {  	_ =	task.clear_ibuf [dreg:s6], $0x4FFFF;
	_ =	strace $0x90000049  }
0x29: {  	s29 =	simm.s32 $0x9;
	_ =	strace $0x8000004B  }
0x2a: {  	_ =	swait.ge [sflag:s29], $0x1  }
0x2b: {  	[sflag:s29] =	ssyncadd.s32 $0xFFFFFFFF  }
0x2c: {  	_ =	strace $0x9000004B  }
0x2d: {  	_ =	sfence  }
0x2e: {  	s30 =	sld [smem:$0x0];
	_ =	sdelay $0x2  }
0x2f: {  	s31 =	sshll.u32 s3, $0xD;
	s3 =	sshrl.u32 s3, $0x2  }
0x30: {  	s2 =	sand.u32 $0x4000, s31;
	s1 =	sadd.s32 s3, s30  }
0x31: {  	s0 =	sor.u32 s2, s0;
	s1 =	sshll.u32 s1, $0x11  }
0x32: {  	s0 =	sor.u32 s1, s0  }
0x33: {  	s0 =	sadd.s32 $0x8F2B, s0  }
0x34: {  	[sflag:s0] =	ssyncadd.remote.s32 $0x1  }
0x35: {  	_ =	sfence.sel $0xFFFF  }
0x36: {  	[dreg:$0x0] =	wrdreg $0xFFFFFFFF;
	(pc) =	sbr.abs _section_cstart, $3  }
0x37: {  	[dreg:$0x1] =	wrdreg $0xFFFFFFFF  }
0x38: {  	_ =	task.clear_ibuf [dreg:s6], $0x2FFFF;
	_ =	strace $0x9FFFFFFF  }
0x39: {  	(tm) =	ssettm $0x7FFFFFFF  }
tec
execute0_lowered:
.L_overlay_start_1:
0x0: {  	(tag) =	ssettag $0x1  }
0x1: {  	s0 =	srdreg.scid  }
0x2: {  	s6 =	rddreg [dreg:$0x0];
	s31 =	simm.s32 $0x2;
	s9 =	simm.s32 $0x0  }
0x3: {  	p0 =	por $0x0, $0x0;
	s15 =	simm.s32 $0x0;
	s16 =	simm.s32 $0x0  }
0x4: {  	s17 =	simm.s32 $0x0;
	s10 =	simm.s32 $0x0;
	s11 =	simm.s32 $0x0  }
0x5: {  	s12 =	simm.s32 $0x0;
	s14 =	simm.s32 $0x0;
	s1 =	sshll.u32 s0, $0x4  }
0x6: {  	s25 =	simm.s32 $0x0;
	s0 =	stileid.u32;
	s1 =	sand.u32 $0x10, s1  }
0x7: {  	s2 =	sand.u32 $0x3, s0;
	s3 =	sor.u32 s0, s1;
	s1 =	rddreg [dreg:$0x1]  }
.Ltmp0:
0x8: {  	s4 =	ssub.s32 $0x9, s2;
	s3 =	sshrl.u32 s3, $0x2;
	(pc) =	sbr.rel .LBB1_1-.Ltmp0, $4  }
0x9: {  	_ =	strace $0x8000004A;
	s7 =	sshrl.u32 s4, $0x2;
	s5 =	sshll.u32 s3, $0x4  }
0xa: {  	s4 =	simm.s32 $0x1;
	s8 =	sadd.s32 s5, s6;
	s5 =	smul.u32 $0x29, s7  }
0xb: {  	s13 =	smov.u32 s2;
	[sflag:s4] =	ssyncpa.u1 $0x0;
	s6 =	sadd.s32 $0x5800, s6  }
0xc: {  	[sflag:s31] =	ssyncpa.u1 $0x0;
	s7 =	sadd.s32 $0x49B200, s8;
	s8 =	sadd.s32 $0x1, s5  }
.LBB1_10:
0xd: {  	p1 =	sgt.s32 s10, $0x1398;
	s22 =	smov.u32 s10  }
0xe: {  	s21 =	sand.u32 $0x1FFFFFF, s10;
	s22 =	simm.s32 @!p1 $0x1398  }
0xf: {  	s23 =	smulhi.u32 $0xCBD83, s21;
	s18 =	sadd.s32 s18, s22  }
0x10: {  	s29 =	smul.u32 $0xA0C00, s11;
	s28 =	sadd.s32 $0xFFFFEC68, s18  }
0x11: {  	s27 =	smul.u32 $0x1418, s23;
	s18 =	ssub.s32 $0x1418, s18;
	p1 =	sgt.s32 s28, $0x7F  }
0x12: {  	s17 =	smul.u32 $0x14180, s17;
	s18 =	simm.s32 @p1 $0x0  }
0x13: {  	s30 =	sadd.s32 s6, s29;
	s21 =	ssub.s32 s21, s27;
	s18 =	smul.u32 s18, s19  }
0x14: {  	s17 =	sadd.s32 s17, s30;
	s21 =	sshll.u32 s21, $0x4  }
0x15: {  	s31 =	sor.u32 $0x8000, s20;
	s17 =	sadd.s32 s21, s17;
	s18 =	sand.u32 $0x3FFFFF80, s18  }
0x16: {  	[hbm4b:s17+s9] =	stream.linear.scatter [tilespmem:s31], [sflag:$0x2], s18, $0x38;
	[tilespmem:$0x10000] =	vst v63  }
.LBB1_11:
0x17: {  	p1 =	slt.u32 s14, $0x2  }
0x18: {  	p2 =	sgt.s32 @!p1 s16, $0x5  }
0x19: {  	s17 =	smov.u32 s16;
	s18 =	sshra.s32 @!p1 s16, $0x1F;
	p2 =	por !p2, p1  }
0x1a: {  	s19 =	sshra.s32 @!p1 s15, $0x1F;
	s17 =	simm.s32 @p2 $0x5;
	p2 =	sgt.s32 @!p1 s15, $0x1398  }
0x1b: {  	s16 =	sand.u32 @!p1 s18, s16;
	s18 =	smov.u32 s15;
	p2 =	por !p2, p1  }
0x1c: {  	s15 =	sand.u32 @!p1 s19, s15;
	s16 =	ssub.s32 @!p1 s17, s16;
	s18 =	simm.s32 @p2 $0x1398  }
0x1d: {  	s16 =	sadd.s32 @!p1 $0xFFFFFFFB, s16;
	s15 =	ssub.s32 @!p1 s18, s15  }
0x1e: {  	s19 =	smov.u32 s13;
	p2 =	sgt.s32 @!p1 s16, $0x0;
	s17 =	sadd.s32 @!p1 $0xFFFFEC68, s15  }
0x1f: {  	s16 =	sshll.u32 @!p1 s16, $0x7;
	s15 =	ssub.s32 @!p1 $0x1418, s15;
	p3 =	sgt.s32 @!p1 s17, $0x7F  }
0x20: {  	s16 =	ssub.s32 @!p1 $0x80, s16;
	p2 =	por !p2, p1;
	p3 =	por !p3, p1  }
0x21: {  	s18 =	sadd.s32 $0x80, s12;
	s16 =	simm.s32 @!p2 $0x0;
	s15 =	simm.s32 @!p3 $0x0  }
0x22: {  	p2 =	sgt.s32 s18, $0x1414;
	s15 =	smul.u32 @!p1 s15, s16;
	s16 =	sadd.s32 $0x4, s13  }
0x23: {  	s19 =	smov.u32 @p2 s16  }
0x24: {  	s18 =	simm.s32 @p2 $0x0;
	p2 =	sgt.s32 s19, $0x5  }
0x25: {  	p0 =	por !p0, !p0;
	s19 =	smov.u32 @p2 s2;
	p2 =	sne.s32 s14, s8  }
.Ltmp1:
0x26: {  	s17 =	simm.s32 @!p1 $0x2;
	s15 =	sand.u32 @!p1 $0x3FFFFF80, s15;
	(pc) =	sbr.rel @!p2 .LBB1_12-.Ltmp1, $4  }
0x27: {  	s16 =	smov.u32 s11;
	s11 =	smov.u32 s13;
	_ =	swait.ge @!p1 [sflag:s17], s15  }
0x28: {  	s20 =	ssub.s32 @!p1 $0x0, s15;
	s15 =	smov.u32 s10;
	s14 =	sadd.s32 $0x1, s14  }
0x29: {  	s10 =	smov.u32 s12;
	s12 =	smov.u32 s18;
	[sflag:s17] =	ssyncset.done @!p1 $0x0  }
0x2a: {  	s13 =	smov.u32 s19;
	[sflag:s17] =	ssyncadd.s32 @!p1 s20;
	s17 =	smov.u32 s3  }
.LBB1_1:
0x2b: {  	p1 =	sge.u32 s14, s5  }
0x2c: {  	p2 =	sgt.s32 @!p1 s13, $0x5  }
0x2d: {  	s18 =	smov.u32 s13;
	s20 =	smov.u32 s12;
	p2 =	por !p2, p1  }
0x2e: {  	s19 =	sshra.s32 @!p1 s13, $0x1F;
	s18 =	simm.s32 @p2 $0x5;
	p2 =	sgt.s32 @!p1 s12, $0x1395  }
0x2f: {  	s21 =	sshra.s32 @!p1 s12, $0x1F;
	s19 =	sand.u32 @!p1 s19, s13;
	p2 =	por !p2, p1  }
0x30: {  	s18 =	ssub.s32 @!p1 s18, s19;
	s19 =	sand.u32 @!p1 s21, s12;
	s20 =	simm.s32 @p2 $0x1395  }
0x31: {  	s18 =	sadd.s32 @!p1 $0xFFFFFFFB, s18;
	s19 =	ssub.s32 @!p1 s20, s19  }
0x32: {  	p2 =	sgt.s32 @!p1 s18, $0x0;
	s20 =	sadd.s32 @!p1 $0xFFFFEC6B, s19  }
0x33: {  	s18 =	sshll.u32 @!p1 s18, $0x7;
	s19 =	ssub.s32 @!p1 $0x1415, s19;
	p3 =	sgt.s32 @!p1 s20, $0x7F  }
0x34: {  	s18 =	ssub.s32 @!p1 $0x80, s18;
	p2 =	por !p2, p1;
	p3 =	por !p3, p1  }
0x35: {  	s18 =	simm.s32 @!p2 $0x0;
	s19 =	simm.s32 @!p3 $0x0  }
0x36: {  	s20 =	sxor.u32 @!p1 $0xFFFFFFFF, s14;
	s18 =	smul.u32 @!p1 s19, s18  }
0x37: {  	s19 =	sshll.u32 @!p1 s20, $0xE;
	s20 =	smul.u32 @!p1 $0xA0A80, s13  }
0x38: {  	s31 =	sadd.s32 $0xFFFFFFFF, s14;
	s22 =	simm.s32 @!p1 $0x400  }
0x39: {  	s21 =	sshll.u32 @!p1 s12, $0x7;
	s19 =	sand.u32 @!p1 $0x4000, s19;
	s20 =	sadd.s32 @!p1 s20, s7  }
0x3a: {  	s18 =	sand.u32 @!p1 $0x3FFFFF80, s18;
	s20 =	sadd.s32 @!p1 s21, s20;
	s21 =	simm.s32 @!p1 $0x80  }
0x3b: {  	[tilespmem:s19], [sflag:$0x1] =	stream.strided.gather @!p1 [hbm4b:s20+s21], s18, s22, s21, $0x38;
	[tilespmem:$0x10000] =	vst v63  }
0x3c: {  	p1 =	sge.u32 s31, s5  }
.Ltmp2:
0x3d: {  	_ = 	snop;
	(pc) =	sbr.rel @p1 .LBB1_11-.Ltmp2, $1  }
0x3e: {  	_ =	sdelay $0x3  }
0x3f: {  	p1 =	sgt.s32 s11, $0x5;
	s18 =	smov.u32 s11;
	s19 =	sshra.s32 s11, $0x1F  }
0x40: {  	s20 =	ssub.s32 $0x0, s10;
	s18 =	simm.s32 @!p1 $0x5;
	s19 =	sand.u32 s19, s11  }
0x41: {  	s21 =	sshra.s32 s10, $0x1F;
	s22 =	smov.u32 s10;
	s19 =	ssub.s32 s18, s19  }
0x42: {  	p1 =	sgt.s32 s10, $0x1395;
	s18 =	sand.u32 s20, s21;
	s19 =	sadd.s32 $0xFFFFFFFB, s19  }
0x43: {  	s22 =	simm.s32 @!p1 $0x1395;
	p1 =	sgt.s32 s19, $0x0;
	s19 =	sshll.u32 s19, $0x7  }
0x44: {  	s21 =	sadd.s32 $0x1, s11;
	s20 =	sadd.s32 s18, s22;
	s19 =	ssub.s32 $0x80, s19  }
0x45: {  	s22 =	sadd.s32 $0x80, s10;
	s19 =	simm.s32 @p1 $0x0;
	p1 =	slt.s32 s21, $0x6  }
0x46: {  	s30 =	sadd.s32 $0xFFFFEC6B, s20;
	s21 =	simm.s32 @!p1 $0x6;
	p1 =	slt.s32 s22, $0x1415  }
0x47: {  	s20 =	ssub.s32 $0x1415, s20;
	s21 =	ssub.s32 s21, s11;
	s22 =	simm.s32 @!p1 $0x1415  }
0x48: {  	p2 =	sgt.s32 s30, $0x7F;
	s22 =	ssub.s32 s22, s10;
	p1 =	slt.s32 s21, $0x1  }
0x49: {  	s20 =	simm.s32 @p2 $0x0;
	p2 =	slt.s32 @!p1 s22, $0x1  }
0x4a: {  	s20 =	smul.u32 s20, s19;
	p2 =	por p1, p2  }
.Ltmp3:
0x4b: {  	_ = 	snop;
	(pc) =	sbr.rel @p2 .LBB1_10-.Ltmp3, $4  }
0x4c: {  	s20 =	sand.u32 $0x3FFFFF80, s20  }
0x4d: {  	_ =	swait.ge [sflag:s4], s20  }
0x4e: {  	s31 =	sshll.u32 s14, $0xE;
	s23 =	ssub.s32 $0x0, s20;
	[sflag:s4] =	ssyncset.done $0x0  }
0x4f: {  	s20 =	sand.u32 $0x4000, s31;
	[sflag:s4] =	ssyncadd.s32 s23  }
0x50: {  	s23 =	simm.s32 $0x1  }
0x51: {  	s23 =	simm.s32 @!p0 $0x0  }
0x52: {  	s23 =	sshll.u32 s23, $0xE  }
0x53: {  	s24 =	sor.u32 @!p1 $0x8000, s20;
	s26 =	simm.s32 $0x0;
	s23 =	sor.u32 $0x40, s23  }
.LBB1_4:
0x54: {  	s27 =	sshll.u32 s26, $0x10  }
0x55: {  	s27 =	sshra.s32 s27, $0x2  }
0x56: {  	p2 =	sne.s32 s22, $0x1;
	s27 =	sadd.s32 s27, s24  }
.Ltmp4:
0x57: {  	v0 =	vmov s27;
	(pc) =	sbr.rel @!p2 .LBB1_5-.Ltmp4, $2  }
0x58: {  	_ =	sdelay $0x2  }
0x59: {  	v1 =	vld [tilespmem:s23+$0x30];
	s29 =	sadd.s32 $0xFFFFFFFF, s22;
	p1 =	por $0x0, $0x0  }
0x5a: {  	v4 =	vld [tilespmem:s23+$0xFFFFFFC0]  }
0x5b: {  	v5 =	vld [tilespmem:s23+$0xFFFFFFD0]  }
0x5c: {  	v6 =	vld [tilespmem:s23+$0xFFFFFFE0];
	p2 =	sne.s32 s29, $0x1  }
.Ltmp5:
0x5d: {  	s28 =	sand.u32 $0x3F80, s25;
	v2 =	vld [tilespmem:s23+$0xFFFFFFF0];
	(pc) =	sbr.rel @!p2 .LBB1_7-.Ltmp5, $4  }
0x5e: {  	v3 =	vld [tilespmem:s23+$0x0];
	[tilespmem:v0+s28+$0x70 ss:$0x1] =	vst.idx.msk $0xffff, v1  }
0x5f: {  	[tilespmem:v0+s28+$0x0 ss:$0x1] =	vst.idx.msk $0xffff, v4;
	v4 =	vld [tilespmem:s23+$0x10]  }
0x60: {  	s27 =	sadd.s32 $0x80, s23;
	[tilespmem:v0+s28+$0x10 ss:$0x1] =	vst.idx.msk $0xffff, v5;
	v5 =	vld [tilespmem:s23+$0x20]  }
0x61: {  	s30 =	sadd.s32 $0xFFFFFFFF, s29;
	p1 =	por $0x1, $0x1;
	s29 =	simm.s32 $0x0;
	v1 =	vld [tilespmem:s27+$0x30];
	[tilespmem:v0+s28+$0x20 ss:$0x1] =	vst.idx.msk $0xffff, v6  }
.LBB1_8:
0x62: {  	p2 =	sne.s32 s30, $0x1;
	v6 =	vld [tilespmem:s27+$0xFFFFFFC0];
	[tilespmem:v0+s28+$0x30 ss:$0x1] =	vst.idx.msk $0xffff, v2  }
0x63: {  	v7 =	vld [tilespmem:s27+$0xFFFFFFD0];
	[tilespmem:v0+s28+$0x40 ss:$0x1] =	vst.idx.msk $0xffff, v3  }
0x64: {  	s29 =	sadd.s32 $0x80, s29;
	v8 =	vld [tilespmem:s27+$0xFFFFFFE0];
	[tilespmem:v0+s28+$0x50 ss:$0x1] =	vst.idx.msk $0xffff, v4  }
.Ltmp6:
0x65: {  	v2 =	vld [tilespmem:s27+$0xFFFFFFF0];
	[tilespmem:v0+s28+$0x60 ss:$0x1] =	vst.idx.msk $0xffff, v5;
	s28 =	sand.u32 $0x3F80, s29;
	(pc) =	sbr.rel @p2 .LBB1_8-.Ltmp6, $4  }
0x66: {  	v3 =	vld [tilespmem:s27+$0x0];
	[tilespmem:v0+s28+$0x70 ss:$0x1] =	vst.idx.msk $0xffff, v1  }
0x67: {  	[tilespmem:v0+s28+$0x0 ss:$0x1] =	vst.idx.msk $0xffff, v6;
	v4 =	vld [tilespmem:s27+$0x10]  }
0x68: {  	[tilespmem:v0+s28+$0x10 ss:$0x1] =	vst.idx.msk $0xffff, v7;
	v5 =	vld [tilespmem:s27+$0x20];
	s27 =	sadd.s32 $0x80, s27  }
0x69: {  	s30 =	sadd.s32 $0xFFFFFFFF, s30;
	v1 =	vld [tilespmem:s27+$0x30];
	[tilespmem:v0+s28+$0x20 ss:$0x1] =	vst.idx.msk $0xffff, v8  }
.LBB1_9:
0x6a: {  	_ =	sdelay $0x3  }
0x6b: {  	v6 =	vld [tilespmem:s27+$0xFFFFFFC0];
	[tilespmem:v0+s28+$0x30 ss:$0x1] =	vst.idx.msk @p1 $0xffff, v2  }
0x6c: {  	v58 =	vld [tilespmem:s27+$0xFFFFFFD0];
	s29 =	sadd.s32 @p1 $0x80, s29;
	s30 =	simm.s32 $0x0;
	[tilespmem:v0+s28+$0x40 ss:$0x1] =	vst.idx.msk @p1 $0xffff, v3  }
0x6d: {  	v59 =	vld [tilespmem:s27+$0xFFFFFFE0];
	s30 =	smov.u32 @p1 s29;
	[tilespmem:v0+s28+$0x50 ss:$0x1] =	vst.idx.msk @p1 $0xffff, v4  }
0x6e: {  	v60 =	vld [tilespmem:s27+$0xFFFFFFF0];
	s29 =	sand.u32 $0x3F80, s30;
	[tilespmem:v0+s28+$0x60 ss:$0x1] =	vst.idx.msk @p1 $0xffff, v5  }
0x6f: {  	v61 =	vld [tilespmem:s27+$0x0];
	[tilespmem:v0+s29+$0x70 ss:$0x1] =	vst.idx.msk $0xffff, v1  }
0x70: {  	v62 =	vld [tilespmem:s27+$0x10];
	s26 =	sadd.s32 $0x1, s26;
	[tilespmem:v0+s29+$0x0 ss:$0x1] =	vst.idx.msk $0xffff, v6  }
0x71: {  	v63 =	vld [tilespmem:s27+$0x20];
	p1 =	sne.s32 s26, s21;
	[tilespmem:v0+s29+$0x10 ss:$0x1] =	vst.idx.msk $0xffff, v58  }
.Ltmp7:
0x72: {  	[tilespmem:v0+s29+$0x20 ss:$0x1] =	vst.idx.msk $0xffff, v59;
	(pc) =	sbr.rel @p1 .LBB1_4-.Ltmp7, $4  }
.Ltmp8:
0x73: {  	[tilespmem:v0+s29+$0x30 ss:$0x1] =	vst.idx.msk $0xffff, v60;
	(pc) =	sbr.rel @!p1 .LBB1_10-.Ltmp8, $4  }
0x74: {  	[tilespmem:v0+s29+$0x40 ss:$0x1] =	vst.idx.msk $0xffff, v61  }
0x75: {  	[tilespmem:v0+s29+$0x50 ss:$0x1] =	vst.idx.msk $0xffff, v62  }
0x76: {  	s23 =	sadd.s32 $0x4000, s23;
	[tilespmem:v0+s29+$0x60 ss:$0x1] =	vst.idx.msk $0xffff, v63  }
0x77: {  	_ = 	snop  }
.LBB1_5:
.Ltmp9:
0x78: {  	(pc) =	sbr.rel .LBB1_9-.Ltmp9, $2  }
0x79: {  	_ =	sdelay $0x2  }
0x7a: {  	s27 =	smov.u32 s23;
	s29 =	simm.s32 $0x0  }
.LBB1_7:
.Ltmp10:
0x7b: {  	(pc) =	sbr.rel .LBB1_9-.Ltmp10, $2  }
0x7c: {  	_ =	sdelay $0x2  }
0x7d: {  	s29 =	simm.s32 $0x0  }
.LBB1_12:
0x7e: {  	_ =	sfence.sel $0x180000  }
0x7f: {  	s2 =	simm.s32 $0x1;
	[bflag:$0x0] =	sbarrier.arrive $0xFFFF  }
0x80: {  	s31 =	simm.s32 $0x2;
	[sflag:s2] =	ssyncpa.u1 $0x1  }
0x81: {  	[sflag:s31] =	ssyncpa.u1 $0x1  }
0x82: {  	p0 =	sne.s32 s0, $0x0;
	_ =	strace $0x9000004A  }
0x83: {  	s0 =	sadd.s32 @!p0 $0x100000, s1;
	[bflag:$0x2] =	sbarrier.arrive $0xFFFF  }
0x84: {  	[sflag:s0] =	ssyncadd.tile.s32 @!p0 $0x1;
	_ =	shalt  }
.Lfunc_end1:
_tile_overlayer_lowered:
.L_overlay_start_2:
0x85: {  	(tag) =	ssettag $0x2  }
0x86: {  	s0 =	rddreg [dreg:$0x0];
	s2 =	stileid.u32  }
0x87: {  	s1 =	rddreg [dreg:$0x1];
	p0 =	sne.s32 s2, $0x0  }
0x88: {  	s3 =	rddreg [dreg:$0x2];
	[bflag:$0x3] =	sbarrier.arrive $0xFFFF;
	s2 =	simm.s32 @!p0 $0x1C01  }
0x89: {  	[timem:s3], [sflag:s2] =	dma.local @!p0 [hbm:s0], s1  }
0x8a: {  	s0 =	simm.s32 @!p0 $0x1  }
0x8b: {  	_ =	swait.ge @!p0 [sflag:s0], s1  }
0x8c: {  	s1 =	ssub.s32 @!p0 $0x0, s1;
	[sflag:s0] =	ssyncset.done @!p0 $0x0  }
0x8d: {  	[sflag:s0] =	ssyncadd.s32 @!p0 s1  }
0x8e: {  	[bflag:$0x3] =	sbarrier.arrive $0xFFFF  }
0x8f: {  	_ =	shalt  }

</sc_bundles>
